<compile_context>
chip_gen: v7x
topology: tpu7x:2x2x1
jax: 0.10.2.dev20260603
libtpu: 0.0.44.dev20260713+nightly
codegen_flags: <defaults>
</compile_context>

<pallas_src>
import functools
import math

import numpy as np
import jax
import jax.numpy as jnp
from jax import lax
from jax.experimental import pallas as pl
from jax.experimental.pallas import tpu as pltpu
from jax.experimental.pallas import tpu_sc as plsc

N, C, D, H, W = 6, 64, 40, 32, 88
HW = H * W
NP = D * HW
BEV = 125
NCELL = BEV * BEV
K = 128
NBUF = 8
LOOKAHEAD = 4
NSUB = 16
HWB = 256
DB = 8


def _build_consts():
    z = np.arange(1.0, 41.0, 1.0, dtype=np.float32) + np.float32(1.0)
    x = np.linspace(0.0, W - 1, W).astype(np.float32)
    y = np.linspace(0.0, H - 1, H).astype(np.float32)
    xz = x[None, :] * z[:, None]
    yz = y[None, :] * z[:, None]
    m1 = np.float32(max(xz.max(), yz.max(), z.max()))
    col0 = xz / m1 * np.float32(100.0) + np.float32(-50.0)
    m2 = np.float32(max(col0.max(), yz.max(), z.max()))
    col1 = yz / m2 * np.float32(100.0) + np.float32(-50.0)
    xi = ((col0 - np.float32(-50.0)) / np.float32(0.8)).astype(np.int32)
    yi = ((col1 - np.float32(-50.0)) / np.float32(0.8)).astype(np.int32)
    zi = ((z - np.float32(-10.0)) / np.float32(20.0)).astype(np.int32)
    valid = ((xi[:, None, :] >= 0) & (xi[:, None, :] < BEV)
             & (yi[:, :, None] >= 0) & (yi[:, :, None] < BEV)
             & (zi[:, None, None] >= 0))
    cell = np.broadcast_to(yi[:, :, None] * BEV + xi[:, None, :],
                           (D, H, W)).reshape(-1)
    vmask = valid.reshape(-1)
    pts = np.nonzero(vmask)[0]
    order = np.argsort(cell[pts], kind="stable")
    perm = pts[order].astype(np.int32)
    scell = cell[pts][order].astype(np.int32)
    nv = perm.size

    split_cell = int(scell[nv // 2])
    i0 = int(np.searchsorted(scell, split_cell, side="left"))
    nr0, nr1 = split_cell, NCELL - split_cell
    nra = max(nr0, nr1) + 1
    dummy = nra - 1

    lists = []
    for base, cnt, cell_base in ((0, i0, 0), (i0, nv - i0, split_cell)):
        q, r = divmod(cnt, NSUB)
        off = base
        for s in range(NSUB):
            take = q + (1 if s < r else 0)
            lists.append((perm[off:off + take],
                          scell[off:off + take] - cell_base))
            off += take
    nchunk = max(NBUF, math.ceil(max(len(g) for g, _ in lists) / K))
    nchunk = math.ceil(nchunk / LOOKAHEAD) * LOOKAHEAD
    gidx = np.zeros((2 * NSUB, nchunk * K), np.int32)
    sidx = np.full((2 * NSUB, nchunk * K), dummy, np.int32)
    for w_, (g, sc_) in enumerate(lists):
        gidx[w_, :g.size] = g
        sidx[w_, :sc_.size] = sc_
    gidx = gidx.reshape(2 * NSUB * nchunk, K)
    sidx = sidx.reshape(2 * NSUB * nchunk, K)
    return gidx, sidx, nchunk, nr0, nr1, nra, split_cell


_GIDX, _SIDX, NCHUNK, NR0, NR1, NRA, SPLIT = _build_consts()
RPZ = math.ceil(NRA / NSUB)
RPS0 = math.ceil(NR0 / NSUB)
RPS1 = math.ceil(NR1 / NSUB)


SMB = 1408


def _sm_body(dl_ref, dp_ref):
    lo = dl_ref[...]
    m = jnp.max(lo, axis=1, keepdims=True)
    e = jnp.exp(lo - m)
    dp_ref[...] = e / jnp.sum(e, axis=1, keepdims=True)


def _tc_body(dp_ref, im_ref, f_ref):
    p = dp_ref[...]
    im = im_ref[...]
    acc = p[0][:, :, None] * im[0][None, :, :]
    for n in range(1, N):
        acc = acc + p[n][:, :, None] * im[n][None, :, :]
    f_ref[...] = acc.reshape(DB, HWB * C)


def _tc_features(dl3, imt3):
    dp = pl.pallas_call(
        _sm_body,
        grid=(HW // SMB,),
        in_specs=[pl.BlockSpec((N, D, SMB), lambda i: (0, 0, i))],
        out_specs=pl.BlockSpec((N, D, SMB), lambda i: (0, 0, i)),
        out_shape=jax.ShapeDtypeStruct((N, D, HW), jnp.float32),
    )(dl3)
    return pl.pallas_call(
        _tc_body,
        grid=(HW // HWB, D // DB),
        in_specs=[
            pl.BlockSpec((N, DB, HWB), lambda i, j: (0, j, i)),
            pl.BlockSpec((N, HWB, C), lambda i, j: (0, i, 0)),
        ],
        out_specs=pl.BlockSpec((DB, HWB * C), lambda i, j: (j, i)),
        out_shape=jax.ShapeDtypeStruct((D, HW * C), jnp.float32),
    )(dp, imt3)


@functools.cache
def _make_sc_scatter():
    @functools.partial(
        pl.kernel,
        mesh=plsc.VectorSubcoreMesh(core_axis_name="c", subcore_axis_name="s"),
        out_type=jax.ShapeDtypeStruct((NCELL, C), jnp.float32),
        scratch_types=[
            pltpu.VMEM((NCHUNK, K), jnp.int32),
            pltpu.VMEM((NCHUNK, K), jnp.int32),
            pltpu.VMEM((NBUF, K, C), jnp.float32),
            pltpu.VMEM_SHARED((NRA, C), jnp.float32),
        ] + [pltpu.SemaphoreType.DMA] * (2 * NBUF),
        compiler_params=pltpu.CompilerParams(use_tc_tiling_on_sc=False),
    )
    def _sc_scatter(f_hbm, gidx_hbm, sidx_hbm, zrows_hbm, out_hbm,
                    gidx_all, sidx_all, rows, acc,
                    g0, g1, g2, g3, g4, g5, g6, g7,
                    t0, t1, t2, t3, t4, t5, t6, t7):
        sems = [g0, g1, g2, g3, g4, g5, g6, g7]
        ssems = [t0, t1, t2, t3, t4, t5, t6, t7]
        c = lax.axis_index("c")
        s = lax.axis_index("s")
        wid = c * NSUB + s

        pltpu.sync_copy(gidx_hbm.at[pl.ds(wid * NCHUNK, NCHUNK)], gidx_all)
        pltpu.sync_copy(sidx_hbm.at[pl.ds(wid * NCHUNK, NCHUNK)], sidx_all)

        def gather(j, b):
            return pltpu.make_async_copy(f_hbm.at[gidx_all.at[j]],
                                         rows.at[b], sems[b])

        for b in range(NBUF):
            gather(b, b).start()

        zst = jnp.minimum(s * RPZ, NRA - RPZ)
        pltpu.sync_copy(zrows_hbm, acc.at[pl.ds(zst, RPZ)])
        plsc.subcore_barrier()

        def scatter_wait(j, b):
            pltpu.make_async_copy(rows.at[b], acc.at[sidx_all.at[j]],
                                  ssems[b]).wait()

        def stage(j, b):
            gather(j, b).wait()
            pltpu.async_copy(rows.at[b], acc.at[sidx_all.at[j]],
                             ssems[b], add=True)
            pj = j - LOOKAHEAD
            pb = (b + LOOKAHEAD) % NBUF

            @pl.when(pj >= jnp.int32(0))
            def _():
                scatter_wait(pj, pb)

            @pl.when(jnp.logical_and(pj >= jnp.int32(0),
                                     pj + NBUF < NCHUNK))
            def _():
                gather(pj + NBUF, pb).start()

        bulk = (NCHUNK // NBUF) * NBUF

        @pl.loop(0, bulk, step=NBUF)
        def _(j0):
            for b in range(NBUF):
                stage(j0 + b, b)

        for j in range(bulk, NCHUNK):
            stage(j, j % NBUF)
        for j in range(NCHUNK - LOOKAHEAD, NCHUNK):
            scatter_wait(j, j % NBUF)
        plsc.subcore_barrier()

        @pl.when(c == 0)
        def _():
            st = jnp.minimum(s * RPS0, NR0 - RPS0)
            pltpu.sync_copy(acc.at[pl.ds(st, RPS0)],
                            out_hbm.at[pl.ds(st, RPS0)])

        @pl.when(c == 1)
        def _():
            st = jnp.minimum(s * RPS1, NR1 - RPS1)
            pltpu.sync_copy(acc.at[pl.ds(st, RPS1)],
                            out_hbm.at[pl.ds(SPLIT + st, RPS1)])

    return _sc_scatter


def kernel(img_feat, depth_logits, rots, trans, intrins):
    del rots, trans, intrins
    imf = img_feat.reshape(N, C, H, W)
    dl3 = depth_logits.reshape(N, D, HW)
    imt3 = jnp.transpose(imf, (0, 2, 3, 1)).reshape(N, HW, C)
    feats = jnp.reshape(_tc_features(dl3, imt3), (NP, C))
    bev = _make_sc_scatter()(feats, jnp.asarray(_GIDX), jnp.asarray(_SIDX),
                             jnp.zeros((RPZ, C), jnp.float32))
    return jnp.transpose(bev, (1, 0)).reshape(1, C, BEV, BEV)

# --- scband reference (transcript-rebuilt; emitter-appended) ---
"""Pipeline reference for scband-lssview-transformer-72945724555285 (READ-ONLY COPY).

The authoritative reference and input builder live on the scoring server;
editing this copy changes nothing except your own understanding.
"""

import jax, jax.numpy as jnp
import numpy as np

GRID = {'xbound': [-50.0, 50.0, 0.8], 'ybound': [-50.0, 50.0, 0.8], 'zbound': [-10.0, 10.0, 20.0], 'dbound': [1.0, 60.0, 1.0]}
DATA = {'img_size': (32, 88), 'depth': (1.0, 41.0, 40)}


def create_frustum():
    d_min, d_max, d_bins = DATA['depth']
    step = (d_max - d_min) / d_bins
    depth_grid = jnp.arange(d_min, d_max, step).reshape(-1, 1, 1) + step
    H, W = DATA['img_size']
    x_grid = jnp.linspace(0.0, W - 1, W).reshape(1, 1, W)
    y_grid = jnp.linspace(0.0, H - 1, H).reshape(1, H, 1)
    D = depth_grid.shape[0]
    x_grid = jnp.broadcast_to(x_grid, (D, H, W))
    y_grid = jnp.broadcast_to(y_grid, (D, H, W))
    d_grid = jnp.broadcast_to(depth_grid, (D, H, W))
    return jnp.stack((x_grid, y_grid, d_grid), -1)


def setup_inputs(seed: int = 0):
    key = jax.random.key(seed)
    k1, k2, k3, k4, k5 = jax.random.split(key, 5)
    return {
        'img_feat': jax.random.normal(k1, (1, 6, 64, 32, 88), dtype=jnp.float32),
        'depth_logits': jax.random.normal(k2, (1, 6, 40, 32, 88), dtype=jnp.float32),
        'rots': jax.random.normal(k3, (1, 6, 3, 3), dtype=jnp.float32),
        'trans': jax.random.normal(k4, (1, 6, 3), dtype=jnp.float32),
        'intrins': jax.random.normal(k5, (1, 6, 3, 3), dtype=jnp.float32),
    }


def get_geometry(B, N):
    frustum = create_frustum()
    D, H, W, _ = frustum.shape
    pts = jnp.broadcast_to(frustum.reshape(1, 1, D, H, W, 3), (B, N, D, H, W, 3))
    # points_d: [x*z, y*z, z]
    points_d = jnp.stack([pts[..., 0] * pts[..., 2], pts[..., 1] * pts[..., 2], pts[..., 2]], -1)
    flat = points_d.reshape(-1, 3)
    # torch aliasing semantics: geom_xyz aliases flat_points aliases points_d.
    # col0 assignment: RHS uses original points_d.max()
    m1 = points_d.max()
    xr = GRID['xbound'][1] - GRID['xbound'][0]
    yr = GRID['ybound'][1] - GRID['ybound'][0]
    col0 = flat[:, 0] / m1 * xr + GRID['xbound'][0]
    # col1 assignment: points_d.max() is recomputed AFTER col0 was written in-place
    m2 = jnp.maximum(jnp.maximum(col0.max(), flat[:, 1].max()), flat[:, 2].max())
    col1 = flat[:, 1] / m2 * yr + GRID['ybound'][0]
    return jnp.stack([col0, col1, flat[:, 2]], -1)


def voxel_pooling(geom_feats, geom_xyz):
    Nprime, C = geom_feats.shape
    dx, dy, dz = GRID['xbound'][2], GRID['ybound'][2], GRID['zbound'][2]
    x_min, y_min, z_min = GRID['xbound'][0], GRID['ybound'][0], GRID['zbound'][0]
    # torch .long() truncates toward zero; indices are >= 0 here so trunc == floor
    xi = ((geom_xyz[:, 0] - x_min) / dx).astype(jnp.int32)
    yi = ((geom_xyz[:, 1] - y_min) / dy).astype(jnp.int32)
    zi = ((geom_xyz[:, 2] - z_min) / dz).astype(jnp.int32)
    bev_w = int((GRID['xbound'][1] - GRID['xbound'][0]) / dx)
    bev_h = int((GRID['ybound'][1] - GRID['ybound'][0]) / dy)
    valid = (xi >= 0) & (xi < bev_w) & (yi >= 0) & (yi < bev_h) & (zi >= 0)
    xs = jnp.where(valid, xi, 0)
    ys = jnp.where(valid, yi, 0)
    fm = geom_feats * valid[:, None].astype(geom_feats.dtype)
    bev_map = jnp.zeros((bev_h, bev_w, C), dtype=geom_feats.dtype).at[ys, xs].add(fm)
    return jnp.transpose(bev_map, (2, 0, 1))[None]


def reference(img_feat, depth_logits, rots, trans, intrins):
    B, N, C, H, W = img_feat.shape
    D = int(DATA['depth'][2])
    depth_probs = jax.nn.softmax(depth_logits, axis=2)
    imf = img_feat.reshape(B * N, C, H, W)
    dp = depth_probs.reshape(B * N, D, H, W)
    frustum_feat = imf[:, :, None, :, :] * dp[:, None, :, :, :]
    geom_feats = jnp.transpose(frustum_feat, (0, 2, 3, 4, 1)).reshape(-1, C)
    geom_xyz = get_geometry(B, N)
    return voxel_pooling(geom_feats, geom_xyz)

if __name__ == "__main__":
    import jax
    _d = setup_inputs()
    print(jax.jit(kernel)(*tuple(_d.values())))

</pallas_src>

<mosaic_0001>
#map = affine_map<(d0, d1) -> (0, 0)>
module attributes {stable_mosaic.version = 14 : i64} {
  func.func @_sc_scatter(%arg0: i32, %arg1: i32, %arg2: memref<112640x64xf32, #tpu.memory_space<hbm>>, %arg3: memref<896x128xi32, #tpu.memory_space<hbm>>, %arg4: memref<896x128xi32, #tpu.memory_space<hbm>>, %arg5: memref<787x64xf32, #tpu.memory_space<hbm>>, %arg6: memref<15625x64xf32, #tpu.memory_space<hbm>>, %arg7: memref<28x128xi32, #tpu.memory_space<vmem>>, %arg8: memref<28x128xi32, #tpu.memory_space<vmem>>, %arg9: memref<8x128x64xf32, #tpu.memory_space<vmem>>, %arg10: memref<12590x64xf32, #tpu.memory_space<vmem_shared>>, %arg11: memref<!tpu.dma_semaphore, #tpu.memory_space<semaphore_mem>>, %arg12: memref<!tpu.dma_semaphore, #tpu.memory_space<semaphore_mem>>, %arg13: memref<!tpu.dma_semaphore, #tpu.memory_space<semaphore_mem>>, %arg14: memref<!tpu.dma_semaphore, #tpu.memory_space<semaphore_mem>>, %arg15: memref<!tpu.dma_semaphore, #tpu.memory_space<semaphore_mem>>, %arg16: memref<!tpu.dma_semaphore, #tpu.memory_space<semaphore_mem>>, %arg17: memref<!tpu.dma_semaphore, #tpu.memory_space<semaphore_mem>>, %arg18: memref<!tpu.dma_semaphore, #tpu.memory_space<semaphore_mem>>, %arg19: memref<!tpu.dma_semaphore, #tpu.memory_space<semaphore_mem>>, %arg20: memref<!tpu.dma_semaphore, #tpu.memory_space<semaphore_mem>>, %arg21: memref<!tpu.dma_semaphore, #tpu.memory_space<semaphore_mem>>, %arg22: memref<!tpu.dma_semaphore, #tpu.memory_space<semaphore_mem>>, %arg23: memref<!tpu.dma_semaphore, #tpu.memory_space<semaphore_mem>>, %arg24: memref<!tpu.dma_semaphore, #tpu.memory_space<semaphore_mem>>, %arg25: memref<!tpu.dma_semaphore, #tpu.memory_space<semaphore_mem>>, %arg26: memref<!tpu.dma_semaphore, #tpu.memory_space<semaphore_mem>>) attributes {dimension_semantics = [#tpu.dimension_semantics<core_parallel>, #tpu.dimension_semantics<subcore_parallel>], iteration_bounds = array<i64: 2, 16>, scalar_prefetch = 0 : i64, scratch_operands = 20 : i64, tpu.core_type = #tpu.core_type<sc_vector_subcore>, window_params = [{transform_indices = #map}, {transform_indices = #map}, {transform_indices = #map}, {transform_indices = #map}, {transform_indices = #map}]} {
    %mul3A = arith.constant 16 : i32
    %mul3A_0 = arith.muli %arg0, %mul3A : i32
    %add3A = arith.addi %mul3A_0, %arg1 : i32
    %mul3A_1 = arith.constant 28 : i32
    %mul3A_2 = arith.muli %add3A, %mul3A_1 : i32
    "tpu.region"() ({
      %run_scoped3A = tpu.sem_alloc : memref<!tpu.dma_semaphore, #tpu.memory_space<semaphore_mem>>
      %dma_start3A_312 = arith.constant 0 : i32
      %dma_start3A_313 = tpu.memref_slice %arg3[%mul3A_2, %dma_start3A_312] : memref<896x128xi32, #tpu.memory_space<hbm>> -> memref<28x128xi32, #tpu.memory_space<hbm>>
      %dma_start3A_314 = arith.constant 0 : i32
      %dma_start3A_315 = tpu.memref_slice %arg3[%mul3A_2, %dma_start3A_314] : memref<896x128xi32, #tpu.memory_space<hbm>> -> memref<28x128xi32, #tpu.memory_space<hbm>>
      tpu.enqueue_dma source(%dma_start3A_315 : memref<28x128xi32, #tpu.memory_space<hbm>>) target(%arg7 : memref<28x128xi32, #tpu.memory_space<vmem>>) target_semaphore(%run_scoped3A : memref<!tpu.dma_semaphore, #tpu.memory_space<semaphore_mem>>)
      %dma_wait3A_316 = arith.constant 0 : i32
      %dma_wait3A_317 = tpu.memref_slice %arg3[%mul3A_2, %dma_wait3A_316] : memref<896x128xi32, #tpu.memory_space<hbm>> -> memref<28x128xi32, #tpu.memory_space<hbm>>
      %dma_wait3A_318 = arith.constant 0 : i32
      %dma_wait3A_319 = tpu.memref_slice %arg3[%mul3A_2, %dma_wait3A_318] : memref<896x128xi32, #tpu.memory_space<hbm>> -> memref<28x128xi32, #tpu.memory_space<hbm>>
      tpu.wait_dma2 semaphore(%run_scoped3A : memref<!tpu.dma_semaphore, #tpu.memory_space<semaphore_mem>>) src(%dma_wait3A_319 : memref<28x128xi32, #tpu.memory_space<hbm>>) dst(%arg7 : memref<28x128xi32, #tpu.memory_space<vmem>>)
      tpu.yield
    }) : () -> ()
    %mul3A_3 = arith.constant 28 : i32
    %mul3A_4 = arith.muli %add3A, %mul3A_3 : i32
    "tpu.region"() ({
      %run_scoped3A = tpu.sem_alloc : memref<!tpu.dma_semaphore, #tpu.memory_space<semaphore_mem>>
      %dma_start3A_312 = arith.constant 0 : i32
      %dma_start3A_313 = tpu.memref_slice %arg4[%mul3A_4, %dma_start3A_312] : memref<896x128xi32, #tpu.memory_space<hbm>> -> memref<28x128xi32, #tpu.memory_space<hbm>>
      %dma_start3A_314 = arith.constant 0 : i32
      %dma_start3A_315 = tpu.memref_slice %arg4[%mul3A_4, %dma_start3A_314] : memref<896x128xi32, #tpu.memory_space<hbm>> -> memref<28x128xi32, #tpu.memory_space<hbm>>
      tpu.enqueue_dma source(%dma_start3A_315 : memref<28x128xi32, #tpu.memory_space<hbm>>) target(%arg8 : memref<28x128xi32, #tpu.memory_space<vmem>>) target_semaphore(%run_scoped3A : memref<!tpu.dma_semaphore, #tpu.memory_space<semaphore_mem>>)
      %dma_wait3A_316 = arith.constant 0 : i32
      %dma_wait3A_317 = tpu.memref_slice %arg4[%mul3A_4, %dma_wait3A_316] : memref<896x128xi32, #tpu.memory_space<hbm>> -> memref<28x128xi32, #tpu.memory_space<hbm>>
      %dma_wait3A_318 = arith.constant 0 : i32
      %dma_wait3A_319 = tpu.memref_slice %arg4[%mul3A_4, %dma_wait3A_318] : memref<896x128xi32, #tpu.memory_space<hbm>> -> memref<28x128xi32, #tpu.memory_space<hbm>>
      tpu.wait_dma2 semaphore(%run_scoped3A : memref<!tpu.dma_semaphore, #tpu.memory_space<semaphore_mem>>) src(%dma_wait3A_319 : memref<28x128xi32, #tpu.memory_space<hbm>>) dst(%arg8 : memref<28x128xi32, #tpu.memory_space<vmem>>)
      tpu.yield
    }) : () -> ()
    %dma_start3A = arith.constant 0 : i32
    %dma_start3A_5 = arith.constant 0 : i32
    %dma_start3A_6 = arith.constant 0 : i32
    %dma_start3A_7 = arith.constant 0 : i32
    %dma_start3A_8 = tpu.memref_slice %arg9[%dma_start3A_5, %dma_start3A_6, %dma_start3A_7] : memref<8x128x64xf32, #tpu.memory_space<vmem>> -> memref<1x128x64xf32, #tpu.memory_space<vmem>>
    %dma_start3A_9 = tpu.memref_squeeze %dma_start3A_8 : memref<1x128x64xf32, #tpu.memory_space<vmem>> -> memref<128x64xf32, #tpu.memory_space<vmem>>
    %dma_start3A_10 = arith.constant 0 : i32
    %dma_start3A_11 = tpu.memref_slice %arg7[%dma_start3A, %dma_start3A_10] : memref<28x128xi32, #tpu.memory_space<vmem>> -> memref<1x128xi32, #tpu.memory_space<vmem>>
    %dma_start3A_12 = tpu.memref_squeeze %dma_start3A_11 : memref<1x128xi32, #tpu.memory_space<vmem>> -> memref<128xi32, #tpu.memory_space<vmem>>
    %dma_start3A_13 = arith.constant 0 : i32
    %dma_start3A_14 = arith.constant 0 : i32
    %dma_start3A_15 = tpu.memref_slice %arg2[%dma_start3A_13, %dma_start3A_14] : memref<112640x64xf32, #tpu.memory_space<hbm>> -> memref<112640x64xf32, #tpu.memory_space<hbm>>
    tpu.enqueue_indirect_dma source(%dma_start3A_15 : memref<112640x64xf32, #tpu.memory_space<hbm>>) target(%dma_start3A_9 : memref<128x64xf32, #tpu.memory_space<vmem>>) offsets(%dma_start3A_12 : memref<128xi32, #tpu.memory_space<vmem>>) semaphore(%arg11 : memref<!tpu.dma_semaphore, #tpu.memory_space<semaphore_mem>>)
    %dma_start3A_16 = arith.constant 1 : i32
    %dma_start3A_17 = arith.constant 1 : i32
    %dma_start3A_18 = arith.constant 0 : i32
    %dma_start3A_19 = arith.constant 0 : i32
    %dma_start3A_20 = tpu.memref_slice %arg9[%dma_start3A_17, %dma_start3A_18, %dma_start3A_19] : memref<8x128x64xf32, #tpu.memory_space<vmem>> -> memref<1x128x64xf32, #tpu.memory_space<vmem>>
    %dma_start3A_21 = tpu.memref_squeeze %dma_start3A_20 : memref<1x128x64xf32, #tpu.memory_space<vmem>> -> memref<128x64xf32, #tpu.memory_space<vmem>>
    %dma_start3A_22 = arith.constant 0 : i32
    %dma_start3A_23 = tpu.memref_slice %arg7[%dma_start3A_16, %dma_start3A_22] : memref<28x128xi32, #tpu.memory_space<vmem>> -> memref<1x128xi32, #tpu.memory_space<vmem>>
    %dma_start3A_24 = tpu.memref_squeeze %dma_start3A_23 : memref<1x128xi32, #tpu.memory_space<vmem>> -> memref<128xi32, #tpu.memory_space<vmem>>
    %dma_start3A_25 = arith.constant 0 : i32
    %dma_start3A_26 = arith.constant 0 : i32
    %dma_start3A_27 = tpu.memref_slice %arg2[%dma_start3A_25, %dma_start3A_26] : memref<112640x64xf32, #tpu.memory_space<hbm>> -> memref<112640x64xf32, #tpu.memory_space<hbm>>
    tpu.enqueue_indirect_dma source(%dma_start3A_27 : memref<112640x64xf32, #tpu.memory_space<hbm>>) target(%dma_start3A_21 : memref<128x64xf32, #tpu.memory_space<vmem>>) offsets(%dma_start3A_24 : memref<128xi32, #tpu.memory_space<vmem>>) semaphore(%arg12 : memref<!tpu.dma_semaphore, #tpu.memory_space<semaphore_mem>>)
    %dma_start3A_28 = arith.constant 2 : i32
    %dma_start3A_29 = arith.constant 2 : i32
    %dma_start3A_30 = arith.constant 0 : i32
    %dma_start3A_31 = arith.constant 0 : i32
    %dma_start3A_32 = tpu.memref_slice %arg9[%dma_start3A_29, %dma_start3A_30, %dma_start3A_31] : memref<8x128x64xf32, #tpu.memory_space<vmem>> -> memref<1x128x64xf32, #tpu.memory_space<vmem>>
    %dma_start3A_33 = tpu.memref_squeeze %dma_start3A_32 : memref<1x128x64xf32, #tpu.memory_space<vmem>> -> memref<128x64xf32, #tpu.memory_space<vmem>>
    %dma_start3A_34 = arith.constant 0 : i32
    %dma_start3A_35 = tpu.memref_slice %arg7[%dma_start3A_28, %dma_start3A_34] : memref<28x128xi32, #tpu.memory_space<vmem>> -> memref<1x128xi32, #tpu.memory_space<vmem>>
    %dma_start3A_36 = tpu.memref_squeeze %dma_start3A_35 : memref<1x128xi32, #tpu.memory_space<vmem>> -> memref<128xi32, #tpu.memory_space<vmem>>
    %dma_start3A_37 = arith.constant 0 : i32
    %dma_start3A_38 = arith.constant 0 : i32
    %dma_start3A_39 = tpu.memref_slice %arg2[%dma_start3A_37, %dma_start3A_38] : memref<112640x64xf32, #tpu.memory_space<hbm>> -> memref<112640x64xf32, #tpu.memory_space<hbm>>
    tpu.enqueue_indirect_dma source(%dma_start3A_39 : memref<112640x64xf32, #tpu.memory_space<hbm>>) target(%dma_start3A_33 : memref<128x64xf32, #tpu.memory_space<vmem>>) offsets(%dma_start3A_36 : memref<128xi32, #tpu.memory_space<vmem>>) semaphore(%arg13 : memref<!tpu.dma_semaphore, #tpu.memory_space<semaphore_mem>>)
    %dma_start3A_40 = arith.constant 3 : i32
    %dma_start3A_41 = arith.constant 3 : i32
    %dma_start3A_42 = arith.constant 0 : i32
    %dma_start3A_43 = arith.constant 0 : i32
    %dma_start3A_44 = tpu.memref_slice %arg9[%dma_start3A_41, %dma_start3A_42, %dma_start3A_43] : memref<8x128x64xf32, #tpu.memory_space<vmem>> -> memref<1x128x64xf32, #tpu.memory_space<vmem>>
    %dma_start3A_45 = tpu.memref_squeeze %dma_start3A_44 : memref<1x128x64xf32, #tpu.memory_space<vmem>> -> memref<128x64xf32, #tpu.memory_space<vmem>>
    %dma_start3A_46 = arith.constant 0 : i32
    %dma_start3A_47 = tpu.memref_slice %arg7[%dma_start3A_40, %dma_start3A_46] : memref<28x128xi32, #tpu.memory_space<vmem>> -> memref<1x128xi32, #tpu.memory_space<vmem>>
    %dma_start3A_48 = tpu.memref_squeeze %dma_start3A_47 : memref<1x128xi32, #tpu.memory_space<vmem>> -> memref<128xi32, #tpu.memory_space<vmem>>
    %dma_start3A_49 = arith.constant 0 : i32
    %dma_start3A_50 = arith.constant 0 : i32
    %dma_start3A_51 = tpu.memref_slice %arg2[%dma_start3A_49, %dma_start3A_50] : memref<112640x64xf32, #tpu.memory_space<hbm>> -> memref<112640x64xf32, #tpu.memory_space<hbm>>
    tpu.enqueue_indirect_dma source(%dma_start3A_51 : memref<112640x64xf32, #tpu.memory_space<hbm>>) target(%dma_start3A_45 : memref<128x64xf32, #tpu.memory_space<vmem>>) offsets(%dma_start3A_48 : memref<128xi32, #tpu.memory_space<vmem>>) semaphore(%arg14 : memref<!tpu.dma_semaphore, #tpu.memory_space<semaphore_mem>>)
    %dma_start3A_52 = arith.constant 4 : i32
    %dma_start3A_53 = arith.constant 4 : i32
    %dma_start3A_54 = arith.constant 0 : i32
    %dma_start3A_55 = arith.constant 0 : i32
    %dma_start3A_56 = tpu.memref_slice %arg9[%dma_start3A_53, %dma_start3A_54, %dma_start3A_55] : memref<8x128x64xf32, #tpu.memory_space<vmem>> -> memref<1x128x64xf32, #tpu.memory_space<vmem>>
    %dma_start3A_57 = tpu.memref_squeeze %dma_start3A_56 : memref<1x128x64xf32, #tpu.memory_space<vmem>> -> memref<128x64xf32, #tpu.memory_space<vmem>>
    %dma_start3A_58 = arith.constant 0 : i32
    %dma_start3A_59 = tpu.memref_slice %arg7[%dma_start3A_52, %dma_start3A_58] : memref<28x128xi32, #tpu.memory_space<vmem>> -> memref<1x128xi32, #tpu.memory_space<vmem>>
    %dma_start3A_60 = tpu.memref_squeeze %dma_start3A_59 : memref<1x128xi32, #tpu.memory_space<vmem>> -> memref<128xi32, #tpu.memory_space<vmem>>
    %dma_start3A_61 = arith.constant 0 : i32
    %dma_start3A_62 = arith.constant 0 : i32
    %dma_start3A_63 = tpu.memref_slice %arg2[%dma_start3A_61, %dma_start3A_62] : memref<112640x64xf32, #tpu.memory_space<hbm>> -> memref<112640x64xf32, #tpu.memory_space<hbm>>
    tpu.enqueue_indirect_dma source(%dma_start3A_63 : memref<112640x64xf32, #tpu.memory_space<hbm>>) target(%dma_start3A_57 : memref<128x64xf32, #tpu.memory_space<vmem>>) offsets(%dma_start3A_60 : memref<128xi32, #tpu.memory_space<vmem>>) semaphore(%arg15 : memref<!tpu.dma_semaphore, #tpu.memory_space<semaphore_mem>>)
    %dma_start3A_64 = arith.constant 5 : i32
    %dma_start3A_65 = arith.constant 5 : i32
    %dma_start3A_66 = arith.constant 0 : i32
    %dma_start3A_67 = arith.constant 0 : i32
    %dma_start3A_68 = tpu.memref_slice %arg9[%dma_start3A_65, %dma_start3A_66, %dma_start3A_67] : memref<8x128x64xf32, #tpu.memory_space<vmem>> -> memref<1x128x64xf32, #tpu.memory_space<vmem>>
    %dma_start3A_69 = tpu.memref_squeeze %dma_start3A_68 : memref<1x128x64xf32, #tpu.memory_space<vmem>> -> memref<128x64xf32, #tpu.memory_space<vmem>>
    %dma_start3A_70 = arith.constant 0 : i32
    %dma_start3A_71 = tpu.memref_slice %arg7[%dma_start3A_64, %dma_start3A_70] : memref<28x128xi32, #tpu.memory_space<vmem>> -> memref<1x128xi32, #tpu.memory_space<vmem>>
    %dma_start3A_72 = tpu.memref_squeeze %dma_start3A_71 : memref<1x128xi32, #tpu.memory_space<vmem>> -> memref<128xi32, #tpu.memory_space<vmem>>
    %dma_start3A_73 = arith.constant 0 : i32
    %dma_start3A_74 = arith.constant 0 : i32
    %dma_start3A_75 = tpu.memref_slice %arg2[%dma_start3A_73, %dma_start3A_74] : memref<112640x64xf32, #tpu.memory_space<hbm>> -> memref<112640x64xf32, #tpu.memory_space<hbm>>
    tpu.enqueue_indirect_dma source(%dma_start3A_75 : memref<112640x64xf32, #tpu.memory_space<hbm>>) target(%dma_start3A_69 : memref<128x64xf32, #tpu.memory_space<vmem>>) offsets(%dma_start3A_72 : memref<128xi32, #tpu.memory_space<vmem>>) semaphore(%arg16 : memref<!tpu.dma_semaphore, #tpu.memory_space<semaphore_mem>>)
    %dma_start3A_76 = arith.constant 6 : i32
    %dma_start3A_77 = arith.constant 6 : i32
    %dma_start3A_78 = arith.constant 0 : i32
    %dma_start3A_79 = arith.constant 0 : i32
    %dma_start3A_80 = tpu.memref_slice %arg9[%dma_start3A_77, %dma_start3A_78, %dma_start3A_79] : memref<8x128x64xf32, #tpu.memory_space<vmem>> -> memref<1x128x64xf32, #tpu.memory_space<vmem>>
    %dma_start3A_81 = tpu.memref_squeeze %dma_start3A_80 : memref<1x128x64xf32, #tpu.memory_space<vmem>> -> memref<128x64xf32, #tpu.memory_space<vmem>>
    %dma_start3A_82 = arith.constant 0 : i32
    %dma_start3A_83 = tpu.memref_slice %arg7[%dma_start3A_76, %dma_start3A_82] : memref<28x128xi32, #tpu.memory_space<vmem>> -> memref<1x128xi32, #tpu.memory_space<vmem>>
    %dma_start3A_84 = tpu.memref_squeeze %dma_start3A_83 : memref<1x128xi32, #tpu.memory_space<vmem>> -> memref<128xi32, #tpu.memory_space<vmem>>
    %dma_start3A_85 = arith.constant 0 : i32
    %dma_start3A_86 = arith.constant 0 : i32
    %dma_start3A_87 = tpu.memref_slice %arg2[%dma_start3A_85, %dma_start3A_86] : memref<112640x64xf32, #tpu.memory_space<hbm>> -> memref<112640x64xf32, #tpu.memory_space<hbm>>
    tpu.enqueue_indirect_dma source(%dma_start3A_87 : memref<112640x64xf32, #tpu.memory_space<hbm>>) target(%dma_start3A_81 : memref<128x64xf32, #tpu.memory_space<vmem>>) offsets(%dma_start3A_84 : memref<128xi32, #tpu.memory_space<vmem>>) semaphore(%arg17 : memref<!tpu.dma_semaphore, #tpu.memory_space<semaphore_mem>>)
    %dma_start3A_88 = arith.constant 7 : i32
    %dma_start3A_89 = arith.constant 7 : i32
    %dma_start3A_90 = arith.constant 0 : i32
    %dma_start3A_91 = arith.constant 0 : i32
    %dma_start3A_92 = tpu.memref_slice %arg9[%dma_start3A_89, %dma_start3A_90, %dma_start3A_91] : memref<8x128x64xf32, #tpu.memory_space<vmem>> -> memref<1x128x64xf32, #tpu.memory_space<vmem>>
    %dma_start3A_93 = tpu.memref_squeeze %dma_start3A_92 : memref<1x128x64xf32, #tpu.memory_space<vmem>> -> memref<128x64xf32, #tpu.memory_space<vmem>>
    %dma_start3A_94 = arith.constant 0 : i32
    %dma_start3A_95 = tpu.memref_slice %arg7[%dma_start3A_88, %dma_start3A_94] : memref<28x128xi32, #tpu.memory_space<vmem>> -> memref<1x128xi32, #tpu.memory_space<vmem>>
    %dma_start3A_96 = tpu.memref_squeeze %dma_start3A_95 : memref<1x128xi32, #tpu.memory_space<vmem>> -> memref<128xi32, #tpu.memory_space<vmem>>
    %dma_start3A_97 = arith.constant 0 : i32
    %dma_start3A_98 = arith.constant 0 : i32
    %dma_start3A_99 = tpu.memref_slice %arg2[%dma_start3A_97, %dma_start3A_98] : memref<112640x64xf32, #tpu.memory_space<hbm>> -> memref<112640x64xf32, #tpu.memory_space<hbm>>
    tpu.enqueue_indirect_dma source(%dma_start3A_99 : memref<112640x64xf32, #tpu.memory_space<hbm>>) target(%dma_start3A_93 : memref<128x64xf32, #tpu.memory_space<vmem>>) offsets(%dma_start3A_96 : memref<128xi32, #tpu.memory_space<vmem>>) semaphore(%arg18 : memref<!tpu.dma_semaphore, #tpu.memory_space<semaphore_mem>>)
    %mul3A_100 = arith.constant 787 : i32
    %mul3A_101 = arith.muli %arg1, %mul3A_100 : i32
    %min3A = arith.constant 11803 : i32
    %min3A_102 = arith.minsi %mul3A_101, %min3A : i32
    "tpu.region"() ({
      %run_scoped3A = tpu.sem_alloc : memref<!tpu.dma_semaphore, #tpu.memory_space<semaphore_mem>>
      %dma_start3A_312 = arith.constant 0 : i32
      %dma_start3A_313 = tpu.memref_slice %arg10[%min3A_102, %dma_start3A_312] : memref<12590x64xf32, #tpu.memory_space<vmem_shared>> -> memref<787x64xf32, #tpu.memory_space<vmem_shared>>
      tpu.enqueue_dma source(%arg5 : memref<787x64xf32, #tpu.memory_space<hbm>>) target(%dma_start3A_313 : memref<787x64xf32, #tpu.memory_space<vmem_shared>>) target_semaphore(%run_scoped3A : memref<!tpu.dma_semaphore, #tpu.memory_space<semaphore_mem>>)
      %dma_wait3A_314 = arith.constant 0 : i32
      %dma_wait3A_315 = tpu.memref_slice %arg10[%min3A_102, %dma_wait3A_314] : memref<12590x64xf32, #tpu.memory_space<vmem_shared>> -> memref<787x64xf32, #tpu.memory_space<vmem_shared>>
      tpu.wait_dma2 semaphore(%run_scoped3A : memref<!tpu.dma_semaphore, #tpu.memory_space<semaphore_mem>>) src(%arg5 : memref<787x64xf32, #tpu.memory_space<hbm>>) dst(%dma_wait3A_315 : memref<787x64xf32, #tpu.memory_space<vmem_shared>>)
      tpu.yield
    }) : () -> ()
    %barrier3A = arith.constant 0 : index
    tpu.barrier barrier_id(%barrier3A)
    %scan3A = arith.constant 0 : i32
    %scan3A_103 = arith.constant 3 : i32
    %scan3A_104 = arith.addi %scan3A, %scan3A_103 : i32
    %scan3A_105 = arith.constant 1 : i32
    scf.for %scan3A_312 = %scan3A to %scan3A_104 step %scan3A_105  : i32 {
      %mul3A_313 = arith.constant 8 : i32
      %mul3A_314 = arith.muli %scan3A_312, %mul3A_313 : i32
      %add3A_315 = arith.constant 0 : i32
      %add3A_316 = arith.addi %add3A_315, %mul3A_314 : i32
      %add3A_317 = arith.constant 0 : i32
      %add3A_318 = arith.addi %add3A_316, %add3A_317 : i32
      %dma_wait3A_319 = arith.constant 0 : i32
      %dma_wait3A_320 = arith.constant 0 : i32
      %dma_wait3A_321 = arith.constant 0 : i32
      %dma_wait3A_322 = tpu.memref_slice %arg9[%dma_wait3A_319, %dma_wait3A_320, %dma_wait3A_321] : memref<8x128x64xf32, #tpu.memory_space<vmem>> -> memref<1x128x64xf32, #tpu.memory_space<vmem>>
      %dma_wait3A_323 = tpu.memref_squeeze %dma_wait3A_322 : memref<1x128x64xf32, #tpu.memory_space<vmem>> -> memref<128x64xf32, #tpu.memory_space<vmem>>
      %dma_wait3A_324 = arith.constant 0 : i32
      %dma_wait3A_325 = tpu.memref_slice %arg7[%add3A_318, %dma_wait3A_324] : memref<28x128xi32, #tpu.memory_space<vmem>> -> memref<1x128xi32, #tpu.memory_space<vmem>>
      %dma_wait3A_326 = tpu.memref_squeeze %dma_wait3A_325 : memref<1x128xi32, #tpu.memory_space<vmem>> -> memref<128xi32, #tpu.memory_space<vmem>>
      %dma_wait3A_327 = arith.constant 0 : i32
      %dma_wait3A_328 = arith.constant 0 : i32
      %dma_wait3A_329 = tpu.memref_slice %arg2[%dma_wait3A_327, %dma_wait3A_328] : memref<112640x64xf32, #tpu.memory_space<hbm>> -> memref<112640x64xf32, #tpu.memory_space<hbm>>
      tpu.wait_indirect_dma semaphore(%arg11 : memref<!tpu.dma_semaphore, #tpu.memory_space<semaphore_mem>>) src(%dma_wait3A_329 : memref<112640x64xf32, #tpu.memory_space<hbm>>) dst(%dma_wait3A_323 : memref<128x64xf32, #tpu.memory_space<vmem>>)
      %dma_start3A_330 = arith.constant 0 : i32
      %dma_start3A_331 = arith.constant 0 : i32
      %dma_start3A_332 = arith.constant 0 : i32
      %dma_start3A_333 = tpu.memref_slice %arg9[%dma_start3A_330, %dma_start3A_331, %dma_start3A_332] : memref<8x128x64xf32, #tpu.memory_space<vmem>> -> memref<1x128x64xf32, #tpu.memory_space<vmem>>
      %dma_start3A_334 = tpu.memref_squeeze %dma_start3A_333 : memref<1x128x64xf32, #tpu.memory_space<vmem>> -> memref<128x64xf32, #tpu.memory_space<vmem>>
      %dma_start3A_335 = arith.constant 0 : i32
      %dma_start3A_336 = tpu.memref_slice %arg8[%add3A_318, %dma_start3A_335] : memref<28x128xi32, #tpu.memory_space<vmem>> -> memref<1x128xi32, #tpu.memory_space<vmem>>
      %dma_start3A_337 = tpu.memref_squeeze %dma_start3A_336 : memref<1x128xi32, #tpu.memory_space<vmem>> -> memref<128xi32, #tpu.memory_space<vmem>>
      %dma_start3A_338 = arith.constant 0 : i32
      %dma_start3A_339 = arith.constant 0 : i32
      %dma_start3A_340 = tpu.memref_slice %arg10[%dma_start3A_338, %dma_start3A_339] : memref<12590x64xf32, #tpu.memory_space<vmem_shared>> -> memref<12590x64xf32, #tpu.memory_space<vmem_shared>>
      tpu.enqueue_indirect_dma source(%dma_start3A_334 : memref<128x64xf32, #tpu.memory_space<vmem>>) target(%dma_start3A_340 : memref<12590x64xf32, #tpu.memory_space<vmem_shared>>) offsets(%dma_start3A_337 : memref<128xi32, #tpu.memory_space<vmem>>) semaphore(%arg19 : memref<!tpu.dma_semaphore, #tpu.memory_space<semaphore_mem>>) {add = true}
      %sub3A = arith.constant 4 : i32
      %sub3A_341 = arith.subi %add3A_318, %sub3A : i32
      %ge3A = arith.constant 0 : i32
      %ge3A_342 = arith.cmpi sge, %sub3A_341, %ge3A : i32
      %convert_element_type3A_343 = arith.extui %ge3A_342 : i1 to i32
      %cond3A_344 = arith.constant 0 : i32
      %cond3A_345 = arith.cmpi ne, %convert_element_type3A_343, %cond3A_344 : i32
      scf.if %cond3A_345 {
        %dma_wait3A_642 = arith.constant 4 : i32
        %dma_wait3A_643 = arith.constant 0 : i32
        %dma_wait3A_644 = arith.constant 0 : i32
        %dma_wait3A_645 = tpu.memref_slice %arg9[%dma_wait3A_642, %dma_wait3A_643, %dma_wait3A_644] : memref<8x128x64xf32, #tpu.memory_space<vmem>> -> memref<1x128x64xf32, #tpu.memory_space<vmem>>
        %dma_wait3A_646 = tpu.memref_squeeze %dma_wait3A_645 : memref<1x128x64xf32, #tpu.memory_space<vmem>> -> memref<128x64xf32, #tpu.memory_space<vmem>>
        %dma_wait3A_647 = arith.constant 0 : i32
        %dma_wait3A_648 = tpu.memref_slice %arg8[%sub3A_341, %dma_wait3A_647] : memref<28x128xi32, #tpu.memory_space<vmem>> -> memref<1x128xi32, #tpu.memory_space<vmem>>
        %dma_wait3A_649 = tpu.memref_squeeze %dma_wait3A_648 : memref<1x128xi32, #tpu.memory_space<vmem>> -> memref<128xi32, #tpu.memory_space<vmem>>
        %dma_wait3A_650 = arith.constant 0 : i32
        %dma_wait3A_651 = arith.constant 0 : i32
        %dma_wait3A_652 = tpu.memref_slice %arg10[%dma_wait3A_650, %dma_wait3A_651] : memref<12590x64xf32, #tpu.memory_space<vmem_shared>> -> memref<12590x64xf32, #tpu.memory_space<vmem_shared>>
        tpu.wait_indirect_dma semaphore(%arg23 : memref<!tpu.dma_semaphore, #tpu.memory_space<semaphore_mem>>) src(%dma_wait3A_646 : memref<128x64xf32, #tpu.memory_space<vmem>>) dst(%dma_wait3A_652 : memref<12590x64xf32, #tpu.memory_space<vmem_shared>>)
      } else {
      }
      %ge3A_346 = arith.constant 0 : i32
      %ge3A_347 = arith.cmpi sge, %sub3A_341, %ge3A_346 : i32
      %add3A_348 = arith.constant 8 : i32
      %add3A_349 = arith.addi %sub3A_341, %add3A_348 : i32
      %lt3A = arith.constant 28 : i32
      %lt3A_350 = arith.cmpi slt, %add3A_349, %lt3A : i32
      %and3A_351 = arith.andi %ge3A_347, %lt3A_350 : i1
      %convert_element_type3A_352 = arith.extui %and3A_351 : i1 to i32
      %cond3A_353 = arith.constant 0 : i32
      %cond3A_354 = arith.cmpi ne, %convert_element_type3A_352, %cond3A_353 : i32
      scf.if %cond3A_354 {
        %add3A_642 = arith.constant 8 : i32
        %add3A_643 = arith.addi %sub3A_341, %add3A_642 : i32
        %dma_start3A_644 = arith.constant 4 : i32
        %dma_start3A_645 = arith.constant 0 : i32
        %dma_start3A_646 = arith.constant 0 : i32
        %dma_start3A_647 = tpu.memref_slice %arg9[%dma_start3A_644, %dma_start3A_645, %dma_start3A_646] : memref<8x128x64xf32, #tpu.memory_space<vmem>> -> memref<1x128x64xf32, #tpu.memory_space<vmem>>
        %dma_start3A_648 = tpu.memref_squeeze %dma_start3A_647 : memref<1x128x64xf32, #tpu.memory_space<vmem>> -> memref<128x64xf32, #tpu.memory_space<vmem>>
        %dma_start3A_649 = arith.constant 0 : i32
        %dma_start3A_650 = tpu.memref_slice %arg7[%add3A_643, %dma_start3A_649] : memref<28x128xi32, #tpu.memory_space<vmem>> -> memref<1x128xi32, #tpu.memory_space<vmem>>
        %dma_start3A_651 = tpu.memref_squeeze %dma_start3A_650 : memref<1x128xi32, #tpu.memory_space<vmem>> -> memref<128xi32, #tpu.memory_space<vmem>>
        %dma_start3A_652 = arith.constant 0 : i32
        %dma_start3A_653 = arith.constant 0 : i32
        %dma_start3A_654 = tpu.memref_slice %arg2[%dma_start3A_652, %dma_start3A_653] : memref<112640x64xf32, #tpu.memory_space<hbm>> -> memref<112640x64xf32, #tpu.memory_space<hbm>>
        tpu.enqueue_indirect_dma source(%dma_start3A_654 : memref<112640x64xf32, #tpu.memory_space<hbm>>) target(%dma_start3A_648 : memref<128x64xf32, #tpu.memory_space<vmem>>) offsets(%dma_start3A_651 : memref<128xi32, #tpu.memory_space<vmem>>) semaphore(%arg15 : memref<!tpu.dma_semaphore, #tpu.memory_space<semaphore_mem>>)
      } else {
      }
      %add3A_355 = arith.constant 1 : i32
      %add3A_356 = arith.addi %add3A_316, %add3A_355 : i32
      %dma_wait3A_357 = arith.constant 1 : i32
      %dma_wait3A_358 = arith.constant 0 : i32
      %dma_wait3A_359 = arith.constant 0 : i32
      %dma_wait3A_360 = tpu.memref_slice %arg9[%dma_wait3A_357, %dma_wait3A_358, %dma_wait3A_359] : memref<8x128x64xf32, #tpu.memory_space<vmem>> -> memref<1x128x64xf32, #tpu.memory_space<vmem>>
      %dma_wait3A_361 = tpu.memref_squeeze %dma_wait3A_360 : memref<1x128x64xf32, #tpu.memory_space<vmem>> -> memref<128x64xf32, #tpu.memory_space<vmem>>
      %dma_wait3A_362 = arith.constant 0 : i32
      %dma_wait3A_363 = tpu.memref_slice %arg7[%add3A_356, %dma_wait3A_362] : memref<28x128xi32, #tpu.memory_space<vmem>> -> memref<1x128xi32, #tpu.memory_space<vmem>>
      %dma_wait3A_364 = tpu.memref_squeeze %dma_wait3A_363 : memref<1x128xi32, #tpu.memory_space<vmem>> -> memref<128xi32, #tpu.memory_space<vmem>>
      %dma_wait3A_365 = arith.constant 0 : i32
      %dma_wait3A_366 = arith.constant 0 : i32
      %dma_wait3A_367 = tpu.memref_slice %arg2[%dma_wait3A_365, %dma_wait3A_366] : memref<112640x64xf32, #tpu.memory_space<hbm>> -> memref<112640x64xf32, #tpu.memory_space<hbm>>
      tpu.wait_indirect_dma semaphore(%arg12 : memref<!tpu.dma_semaphore, #tpu.memory_space<semaphore_mem>>) src(%dma_wait3A_367 : memref<112640x64xf32, #tpu.memory_space<hbm>>) dst(%dma_wait3A_361 : memref<128x64xf32, #tpu.memory_space<vmem>>)
      %dma_start3A_368 = arith.constant 1 : i32
      %dma_start3A_369 = arith.constant 0 : i32
      %dma_start3A_370 = arith.constant 0 : i32
      %dma_start3A_371 = tpu.memref_slice %arg9[%dma_start3A_368, %dma_start3A_369, %dma_start3A_370] : memref<8x128x64xf32, #tpu.memory_space<vmem>> -> memref<1x128x64xf32, #tpu.memory_space<vmem>>
      %dma_start3A_372 = tpu.memref_squeeze %dma_start3A_371 : memref<1x128x64xf32, #tpu.memory_space<vmem>> -> memref<128x64xf32, #tpu.memory_space<vmem>>
      %dma_start3A_373 = arith.constant 0 : i32
      %dma_start3A_374 = tpu.memref_slice %arg8[%add3A_356, %dma_start3A_373] : memref<28x128xi32, #tpu.memory_space<vmem>> -> memref<1x128xi32, #tpu.memory_space<vmem>>
      %dma_start3A_375 = tpu.memref_squeeze %dma_start3A_374 : memref<1x128xi32, #tpu.memory_space<vmem>> -> memref<128xi32, #tpu.memory_space<vmem>>
      %dma_start3A_376 = arith.constant 0 : i32
      %dma_start3A_377 = arith.constant 0 : i32
      %dma_start3A_378 = tpu.memref_slice %arg10[%dma_start3A_376, %dma_start3A_377] : memref<12590x64xf32, #tpu.memory_space<vmem_shared>> -> memref<12590x64xf32, #tpu.memory_space<vmem_shared>>
      tpu.enqueue_indirect_dma source(%dma_start3A_372 : memref<128x64xf32, #tpu.memory_space<vmem>>) target(%dma_start3A_378 : memref<12590x64xf32, #tpu.memory_space<vmem_shared>>) offsets(%dma_start3A_375 : memref<128xi32, #tpu.memory_space<vmem>>) semaphore(%arg20 : memref<!tpu.dma_semaphore, #tpu.memory_space<semaphore_mem>>) {add = true}
      %sub3A_379 = arith.constant 4 : i32
      %sub3A_380 = arith.subi %add3A_356, %sub3A_379 : i32
      %ge3A_381 = arith.constant 0 : i32
      %ge3A_382 = arith.cmpi sge, %sub3A_380, %ge3A_381 : i32
      %convert_element_type3A_383 = arith.extui %ge3A_382 : i1 to i32
      %cond3A_384 = arith.constant 0 : i32
      %cond3A_385 = arith.cmpi ne, %convert_element_type3A_383, %cond3A_384 : i32
      scf.if %cond3A_385 {
        %dma_wait3A_642 = arith.constant 5 : i32
        %dma_wait3A_643 = arith.constant 0 : i32
        %dma_wait3A_644 = arith.constant 0 : i32
        %dma_wait3A_645 = tpu.memref_slice %arg9[%dma_wait3A_642, %dma_wait3A_643, %dma_wait3A_644] : memref<8x128x64xf32, #tpu.memory_space<vmem>> -> memref<1x128x64xf32, #tpu.memory_space<vmem>>
        %dma_wait3A_646 = tpu.memref_squeeze %dma_wait3A_645 : memref<1x128x64xf32, #tpu.memory_space<vmem>> -> memref<128x64xf32, #tpu.memory_space<vmem>>
        %dma_wait3A_647 = arith.constant 0 : i32
        %dma_wait3A_648 = tpu.memref_slice %arg8[%sub3A_380, %dma_wait3A_647] : memref<28x128xi32, #tpu.memory_space<vmem>> -> memref<1x128xi32, #tpu.memory_space<vmem>>
        %dma_wait3A_649 = tpu.memref_squeeze %dma_wait3A_648 : memref<1x128xi32, #tpu.memory_space<vmem>> -> memref<128xi32, #tpu.memory_space<vmem>>
        %dma_wait3A_650 = arith.constant 0 : i32
        %dma_wait3A_651 = arith.constant 0 : i32
        %dma_wait3A_652 = tpu.memref_slice %arg10[%dma_wait3A_650, %dma_wait3A_651] : memref<12590x64xf32, #tpu.memory_space<vmem_shared>> -> memref<12590x64xf32, #tpu.memory_space<vmem_shared>>
        tpu.wait_indirect_dma semaphore(%arg24 : memref<!tpu.dma_semaphore, #tpu.memory_space<semaphore_mem>>) src(%dma_wait3A_646 : memref<128x64xf32, #tpu.memory_space<vmem>>) dst(%dma_wait3A_652 : memref<12590x64xf32, #tpu.memory_space<vmem_shared>>)
      } else {
      }
      %ge3A_386 = arith.constant 0 : i32
      %ge3A_387 = arith.cmpi sge, %sub3A_380, %ge3A_386 : i32
      %add3A_388 = arith.constant 8 : i32
      %add3A_389 = arith.addi %sub3A_380, %add3A_388 : i32
      %lt3A_390 = arith.constant 28 : i32
      %lt3A_391 = arith.cmpi slt, %add3A_389, %lt3A_390 : i32
      %and3A_392 = arith.andi %ge3A_387, %lt3A_391 : i1
      %convert_element_type3A_393 = arith.extui %and3A_392 : i1 to i32
      %cond3A_394 = arith.constant 0 : i32
      %cond3A_395 = arith.cmpi ne, %convert_element_type3A_393, %cond3A_394 : i32
      scf.if %cond3A_395 {
        %add3A_642 = arith.constant 8 : i32
        %add3A_643 = arith.addi %sub3A_380, %add3A_642 : i32
        %dma_start3A_644 = arith.constant 5 : i32
        %dma_start3A_645 = arith.constant 0 : i32
        %dma_start3A_646 = arith.constant 0 : i32
        %dma_start3A_647 = tpu.memref_slice %arg9[%dma_start3A_644, %dma_start3A_645, %dma_start3A_646] : memref<8x128x64xf32, #tpu.memory_space<vmem>> -> memref<1x128x64xf32, #tpu.memory_space<vmem>>
        %dma_start3A_648 = tpu.memref_squeeze %dma_start3A_647 : memref<1x128x64xf32, #tpu.memory_space<vmem>> -> memref<128x64xf32, #tpu.memory_space<vmem>>
        %dma_start3A_649 = arith.constant 0 : i32
        %dma_start3A_650 = tpu.memref_slice %arg7[%add3A_643, %dma_start3A_649] : memref<28x128xi32, #tpu.memory_space<vmem>> -> memref<1x128xi32, #tpu.memory_space<vmem>>
        %dma_start3A_651 = tpu.memref_squeeze %dma_start3A_650 : memref<1x128xi32, #tpu.memory_space<vmem>> -> memref<128xi32, #tpu.memory_space<vmem>>
        %dma_start3A_652 = arith.constant 0 : i32
        %dma_start3A_653 = arith.constant 0 : i32
        %dma_start3A_654 = tpu.memref_slice %arg2[%dma_start3A_652, %dma_start3A_653] : memref<112640x64xf32, #tpu.memory_space<hbm>> -> memref<112640x64xf32, #tpu.memory_space<hbm>>
        tpu.enqueue_indirect_dma source(%dma_start3A_654 : memref<112640x64xf32, #tpu.memory_space<hbm>>) target(%dma_start3A_648 : memref<128x64xf32, #tpu.memory_space<vmem>>) offsets(%dma_start3A_651 : memref<128xi32, #tpu.memory_space<vmem>>) semaphore(%arg16 : memref<!tpu.dma_semaphore, #tpu.memory_space<semaphore_mem>>)
      } else {
      }
      %add3A_396 = arith.constant 2 : i32
      %add3A_397 = arith.addi %add3A_316, %add3A_396 : i32
      %dma_wait3A_398 = arith.constant 2 : i32
      %dma_wait3A_399 = arith.constant 0 : i32
      %dma_wait3A_400 = arith.constant 0 : i32
      %dma_wait3A_401 = tpu.memref_slice %arg9[%dma_wait3A_398, %dma_wait3A_399, %dma_wait3A_400] : memref<8x128x64xf32, #tpu.memory_space<vmem>> -> memref<1x128x64xf32, #tpu.memory_space<vmem>>
      %dma_wait3A_402 = tpu.memref_squeeze %dma_wait3A_401 : memref<1x128x64xf32, #tpu.memory_space<vmem>> -> memref<128x64xf32, #tpu.memory_space<vmem>>
      %dma_wait3A_403 = arith.constant 0 : i32
      %dma_wait3A_404 = tpu.memref_slice %arg7[%add3A_397, %dma_wait3A_403] : memref<28x128xi32, #tpu.memory_space<vmem>> -> memref<1x128xi32, #tpu.memory_space<vmem>>
      %dma_wait3A_405 = tpu.memref_squeeze %dma_wait3A_404 : memref<1x128xi32, #tpu.memory_space<vmem>> -> memref<128xi32, #tpu.memory_space<vmem>>
      %dma_wait3A_406 = arith.constant 0 : i32
      %dma_wait3A_407 = arith.constant 0 : i32
      %dma_wait3A_408 = tpu.memref_slice %arg2[%dma_wait3A_406, %dma_wait3A_407] : memref<112640x64xf32, #tpu.memory_space<hbm>> -> memref<112640x64xf32, #tpu.memory_space<hbm>>
      tpu.wait_indirect_dma semaphore(%arg13 : memref<!tpu.dma_semaphore, #tpu.memory_space<semaphore_mem>>) src(%dma_wait3A_408 : memref<112640x64xf32, #tpu.memory_space<hbm>>) dst(%dma_wait3A_402 : memref<128x64xf32, #tpu.memory_space<vmem>>)
      %dma_start3A_409 = arith.constant 2 : i32
      %dma_start3A_410 = arith.constant 0 : i32
      %dma_start3A_411 = arith.constant 0 : i32
      %dma_start3A_412 = tpu.memref_slice %arg9[%dma_start3A_409, %dma_start3A_410, %dma_start3A_411] : memref<8x128x64xf32, #tpu.memory_space<vmem>> -> memref<1x128x64xf32, #tpu.memory_space<vmem>>
      %dma_start3A_413 = tpu.memref_squeeze %dma_start3A_412 : memref<1x128x64xf32, #tpu.memory_space<vmem>> -> memref<128x64xf32, #tpu.memory_space<vmem>>
      %dma_start3A_414 = arith.constant 0 : i32
      %dma_start3A_415 = tpu.memref_slice %arg8[%add3A_397, %dma_start3A_414] : memref<28x128xi32, #tpu.memory_space<vmem>> -> memref<1x128xi32, #tpu.memory_space<vmem>>
      %dma_start3A_416 = tpu.memref_squeeze %dma_start3A_415 : memref<1x128xi32, #tpu.memory_space<vmem>> -> memref<128xi32, #tpu.memory_space<vmem>>
      %dma_start3A_417 = arith.constant 0 : i32
      %dma_start3A_418 = arith.constant 0 : i32
      %dma_start3A_419 = tpu.memref_slice %arg10[%dma_start3A_417, %dma_start3A_418] : memref<12590x64xf32, #tpu.memory_space<vmem_shared>> -> memref<12590x64xf32, #tpu.memory_space<vmem_shared>>
      tpu.enqueue_indirect_dma source(%dma_start3A_413 : memref<128x64xf32, #tpu.memory_space<vmem>>) target(%dma_start3A_419 : memref<12590x64xf32, #tpu.memory_space<vmem_shared>>) offsets(%dma_start3A_416 : memref<128xi32, #tpu.memory_space<vmem>>) semaphore(%arg21 : memref<!tpu.dma_semaphore, #tpu.memory_space<semaphore_mem>>) {add = true}
      %sub3A_420 = arith.constant 4 : i32
      %sub3A_421 = arith.subi %add3A_397, %sub3A_420 : i32
      %ge3A_422 = arith.constant 0 : i32
      %ge3A_423 = arith.cmpi sge, %sub3A_421, %ge3A_422 : i32
      %convert_element_type3A_424 = arith.extui %ge3A_423 : i1 to i32
      %cond3A_425 = arith.constant 0 : i32
      %cond3A_426 = arith.cmpi ne, %convert_element_type3A_424, %cond3A_425 : i32
      scf.if %cond3A_426 {
        %dma_wait3A_642 = arith.constant 6 : i32
        %dma_wait3A_643 = arith.constant 0 : i32
        %dma_wait3A_644 = arith.constant 0 : i32
        %dma_wait3A_645 = tpu.memref_slice %arg9[%dma_wait3A_642, %dma_wait3A_643, %dma_wait3A_644] : memref<8x128x64xf32, #tpu.memory_space<vmem>> -> memref<1x128x64xf32, #tpu.memory_space<vmem>>
        %dma_wait3A_646 = tpu.memref_squeeze %dma_wait3A_645 : memref<1x128x64xf32, #tpu.memory_space<vmem>> -> memref<128x64xf32, #tpu.memory_space<vmem>>
        %dma_wait3A_647 = arith.constant 0 : i32
        %dma_wait3A_648 = tpu.memref_slice %arg8[%sub3A_421, %dma_wait3A_647] : memref<28x128xi32, #tpu.memory_space<vmem>> -> memref<1x128xi32, #tpu.memory_space<vmem>>
        %dma_wait3A_649 = tpu.memref_squeeze %dma_wait3A_648 : memref<1x128xi32, #tpu.memory_space<vmem>> -> memref<128xi32, #tpu.memory_space<vmem>>
        %dma_wait3A_650 = arith.constant 0 : i32
        %dma_wait3A_651 = arith.constant 0 : i32
        %dma_wait3A_652 = tpu.memref_slice %arg10[%dma_wait3A_650, %dma_wait3A_651] : memref<12590x64xf32, #tpu.memory_space<vmem_shared>> -> memref<12590x64xf32, #tpu.memory_space<vmem_shared>>
        tpu.wait_indirect_dma semaphore(%arg25 : memref<!tpu.dma_semaphore, #tpu.memory_space<semaphore_mem>>) src(%dma_wait3A_646 : memref<128x64xf32, #tpu.memory_space<vmem>>) dst(%dma_wait3A_652 : memref<12590x64xf32, #tpu.memory_space<vmem_shared>>)
      } else {
      }
      %ge3A_427 = arith.constant 0 : i32
      %ge3A_428 = arith.cmpi sge, %sub3A_421, %ge3A_427 : i32
      %add3A_429 = arith.constant 8 : i32
      %add3A_430 = arith.addi %sub3A_421, %add3A_429 : i32
      %lt3A_431 = arith.constant 28 : i32
      %lt3A_432 = arith.cmpi slt, %add3A_430, %lt3A_431 : i32
      %and3A_433 = arith.andi %ge3A_428, %lt3A_432 : i1
      %convert_element_type3A_434 = arith.extui %and3A_433 : i1 to i32
      %cond3A_435 = arith.constant 0 : i32
      %cond3A_436 = arith.cmpi ne, %convert_element_type3A_434, %cond3A_435 : i32
      scf.if %cond3A_436 {
        %add3A_642 = arith.constant 8 : i32
        %add3A_643 = arith.addi %sub3A_421, %add3A_642 : i32
        %dma_start3A_644 = arith.constant 6 : i32
        %dma_start3A_645 = arith.constant 0 : i32
        %dma_start3A_646 = arith.constant 0 : i32
        %dma_start3A_647 = tpu.memref_slice %arg9[%dma_start3A_644, %dma_start3A_645, %dma_start3A_646] : memref<8x128x64xf32, #tpu.memory_space<vmem>> -> memref<1x128x64xf32, #tpu.memory_space<vmem>>
        %dma_start3A_648 = tpu.memref_squeeze %dma_start3A_647 : memref<1x128x64xf32, #tpu.memory_space<vmem>> -> memref<128x64xf32, #tpu.memory_space<vmem>>
        %dma_start3A_649 = arith.constant 0 : i32
        %dma_start3A_650 = tpu.memref_slice %arg7[%add3A_643, %dma_start3A_649] : memref<28x128xi32, #tpu.memory_space<vmem>> -> memref<1x128xi32, #tpu.memory_space<vmem>>
        %dma_start3A_651 = tpu.memref_squeeze %dma_start3A_650 : memref<1x128xi32, #tpu.memory_space<vmem>> -> memref<128xi32, #tpu.memory_space<vmem>>
        %dma_start3A_652 = arith.constant 0 : i32
        %dma_start3A_653 = arith.constant 0 : i32
        %dma_start3A_654 = tpu.memref_slice %arg2[%dma_start3A_652, %dma_start3A_653] : memref<112640x64xf32, #tpu.memory_space<hbm>> -> memref<112640x64xf32, #tpu.memory_space<hbm>>
        tpu.enqueue_indirect_dma source(%dma_start3A_654 : memref<112640x64xf32, #tpu.memory_space<hbm>>) target(%dma_start3A_648 : memref<128x64xf32, #tpu.memory_space<vmem>>) offsets(%dma_start3A_651 : memref<128xi32, #tpu.memory_space<vmem>>) semaphore(%arg17 : memref<!tpu.dma_semaphore, #tpu.memory_space<semaphore_mem>>)
      } else {
      }
      %add3A_437 = arith.constant 3 : i32
      %add3A_438 = arith.addi %add3A_316, %add3A_437 : i32
      %dma_wait3A_439 = arith.constant 3 : i32
      %dma_wait3A_440 = arith.constant 0 : i32
      %dma_wait3A_441 = arith.constant 0 : i32
      %dma_wait3A_442 = tpu.memref_slice %arg9[%dma_wait3A_439, %dma_wait3A_440, %dma_wait3A_441] : memref<8x128x64xf32, #tpu.memory_space<vmem>> -> memref<1x128x64xf32, #tpu.memory_space<vmem>>
      %dma_wait3A_443 = tpu.memref_squeeze %dma_wait3A_442 : memref<1x128x64xf32, #tpu.memory_space<vmem>> -> memref<128x64xf32, #tpu.memory_space<vmem>>
      %dma_wait3A_444 = arith.constant 0 : i32
      %dma_wait3A_445 = tpu.memref_slice %arg7[%add3A_438, %dma_wait3A_444] : memref<28x128xi32, #tpu.memory_space<vmem>> -> memref<1x128xi32, #tpu.memory_space<vmem>>
      %dma_wait3A_446 = tpu.memref_squeeze %dma_wait3A_445 : memref<1x128xi32, #tpu.memory_space<vmem>> -> memref<128xi32, #tpu.memory_space<vmem>>
      %dma_wait3A_447 = arith.constant 0 : i32
      %dma_wait3A_448 = arith.constant 0 : i32
      %dma_wait3A_449 = tpu.memref_slice %arg2[%dma_wait3A_447, %dma_wait3A_448] : memref<112640x64xf32, #tpu.memory_space<hbm>> -> memref<112640x64xf32, #tpu.memory_space<hbm>>
      tpu.wait_indirect_dma semaphore(%arg14 : memref<!tpu.dma_semaphore, #tpu.memory_space<semaphore_mem>>) src(%dma_wait3A_449 : memref<112640x64xf32, #tpu.memory_space<hbm>>) dst(%dma_wait3A_443 : memref<128x64xf32, #tpu.memory_space<vmem>>)
      %dma_start3A_450 = arith.constant 3 : i32
      %dma_start3A_451 = arith.constant 0 : i32
      %dma_start3A_452 = arith.constant 0 : i32
      %dma_start3A_453 = tpu.memref_slice %arg9[%dma_start3A_450, %dma_start3A_451, %dma_start3A_452] : memref<8x128x64xf32, #tpu.memory_space<vmem>> -> memref<1x128x64xf32, #tpu.memory_space<vmem>>
      %dma_start3A_454 = tpu.memref_squeeze %dma_start3A_453 : memref<1x128x64xf32, #tpu.memory_space<vmem>> -> memref<128x64xf32, #tpu.memory_space<vmem>>
      %dma_start3A_455 = arith.constant 0 : i32
      %dma_start3A_456 = tpu.memref_slice %arg8[%add3A_438, %dma_start3A_455] : memref<28x128xi32, #tpu.memory_space<vmem>> -> memref<1x128xi32, #tpu.memory_space<vmem>>
      %dma_start3A_457 = tpu.memref_squeeze %dma_start3A_456 : memref<1x128xi32, #tpu.memory_space<vmem>> -> memref<128xi32, #tpu.memory_space<vmem>>
      %dma_start3A_458 = arith.constant 0 : i32
      %dma_start3A_459 = arith.constant 0 : i32
      %dma_start3A_460 = tpu.memref_slice %arg10[%dma_start3A_458, %dma_start3A_459] : memref<12590x64xf32, #tpu.memory_space<vmem_shared>> -> memref<12590x64xf32, #tpu.memory_space<vmem_shared>>
      tpu.enqueue_indirect_dma source(%dma_start3A_454 : memref<128x64xf32, #tpu.memory_space<vmem>>) target(%dma_start3A_460 : memref<12590x64xf32, #tpu.memory_space<vmem_shared>>) offsets(%dma_start3A_457 : memref<128xi32, #tpu.memory_space<vmem>>) semaphore(%arg22 : memref<!tpu.dma_semaphore, #tpu.memory_space<semaphore_mem>>) {add = true}
      %sub3A_461 = arith.constant 4 : i32
      %sub3A_462 = arith.subi %add3A_438, %sub3A_461 : i32
      %ge3A_463 = arith.constant 0 : i32
      %ge3A_464 = arith.cmpi sge, %sub3A_462, %ge3A_463 : i32
      %convert_element_type3A_465 = arith.extui %ge3A_464 : i1 to i32
      %cond3A_466 = arith.constant 0 : i32
      %cond3A_467 = arith.cmpi ne, %convert_element_type3A_465, %cond3A_466 : i32
      scf.if %cond3A_467 {
        %dma_wait3A_642 = arith.constant 7 : i32
        %dma_wait3A_643 = arith.constant 0 : i32
        %dma_wait3A_644 = arith.constant 0 : i32
        %dma_wait3A_645 = tpu.memref_slice %arg9[%dma_wait3A_642, %dma_wait3A_643, %dma_wait3A_644] : memref<8x128x64xf32, #tpu.memory_space<vmem>> -> memref<1x128x64xf32, #tpu.memory_space<vmem>>
        %dma_wait3A_646 = tpu.memref_squeeze %dma_wait3A_645 : memref<1x128x64xf32, #tpu.memory_space<vmem>> -> memref<128x64xf32, #tpu.memory_space<vmem>>
        %dma_wait3A_647 = arith.constant 0 : i32
        %dma_wait3A_648 = tpu.memref_slice %arg8[%sub3A_462, %dma_wait3A_647] : memref<28x128xi32, #tpu.memory_space<vmem>> -> memref<1x128xi32, #tpu.memory_space<vmem>>
        %dma_wait3A_649 = tpu.memref_squeeze %dma_wait3A_648 : memref<1x128xi32, #tpu.memory_space<vmem>> -> memref<128xi32, #tpu.memory_space<vmem>>
        %dma_wait3A_650 = arith.constant 0 : i32
        %dma_wait3A_651 = arith.constant 0 : i32
        %dma_wait3A_652 = tpu.memref_slice %arg10[%dma_wait3A_650, %dma_wait3A_651] : memref<12590x64xf32, #tpu.memory_space<vmem_shared>> -> memref<12590x64xf32, #tpu.memory_space<vmem_shared>>
        tpu.wait_indirect_dma semaphore(%arg26 : memref<!tpu.dma_semaphore, #tpu.memory_space<semaphore_mem>>) src(%dma_wait3A_646 : memref<128x64xf32, #tpu.memory_space<vmem>>) dst(%dma_wait3A_652 : memref<12590x64xf32, #tpu.memory_space<vmem_shared>>)
      } else {
      }
      %ge3A_468 = arith.constant 0 : i32
      %ge3A_469 = arith.cmpi sge, %sub3A_462, %ge3A_468 : i32
      %add3A_470 = arith.constant 8 : i32
      %add3A_471 = arith.addi %sub3A_462, %add3A_470 : i32
      %lt3A_472 = arith.constant 28 : i32
      %lt3A_473 = arith.cmpi slt, %add3A_471, %lt3A_472 : i32
      %and3A_474 = arith.andi %ge3A_469, %lt3A_473 : i1
      %convert_element_type3A_475 = arith.extui %and3A_474 : i1 to i32
      %cond3A_476 = arith.constant 0 : i32
      %cond3A_477 = arith.cmpi ne, %convert_element_type3A_475, %cond3A_476 : i32
      scf.if %cond3A_477 {
        %add3A_642 = arith.constant 8 : i32
        %add3A_643 = arith.addi %sub3A_462, %add3A_642 : i32
        %dma_start3A_644 = arith.constant 7 : i32
        %dma_start3A_645 = arith.constant 0 : i32
        %dma_start3A_646 = arith.constant 0 : i32
        %dma_start3A_647 = tpu.memref_slice %arg9[%dma_start3A_644, %dma_start3A_645, %dma_start3A_646] : memref<8x128x64xf32, #tpu.memory_space<vmem>> -> memref<1x128x64xf32, #tpu.memory_space<vmem>>
        %dma_start3A_648 = tpu.memref_squeeze %dma_start3A_647 : memref<1x128x64xf32, #tpu.memory_space<vmem>> -> memref<128x64xf32, #tpu.memory_space<vmem>>
        %dma_start3A_649 = arith.constant 0 : i32
        %dma_start3A_650 = tpu.memref_slice %arg7[%add3A_643, %dma_start3A_649] : memref<28x128xi32, #tpu.memory_space<vmem>> -> memref<1x128xi32, #tpu.memory_space<vmem>>
        %dma_start3A_651 = tpu.memref_squeeze %dma_start3A_650 : memref<1x128xi32, #tpu.memory_space<vmem>> -> memref<128xi32, #tpu.memory_space<vmem>>
        %dma_start3A_652 = arith.constant 0 : i32
        %dma_start3A_653 = arith.constant 0 : i32
        %dma_start3A_654 = tpu.memref_slice %arg2[%dma_start3A_652, %dma_start3A_653] : memref<112640x64xf32, #tpu.memory_space<hbm>> -> memref<112640x64xf32, #tpu.memory_space<hbm>>
        tpu.enqueue_indirect_dma source(%dma_start3A_654 : memref<112640x64xf32, #tpu.memory_space<hbm>>) target(%dma_start3A_648 : memref<128x64xf32, #tpu.memory_space<vmem>>) offsets(%dma_start3A_651 : memref<128xi32, #tpu.memory_space<vmem>>) semaphore(%arg18 : memref<!tpu.dma_semaphore, #tpu.memory_space<semaphore_mem>>)
      } else {
      }
      %add3A_478 = arith.constant 4 : i32
      %add3A_479 = arith.addi %add3A_316, %add3A_478 : i32
      %dma_wait3A_480 = arith.constant 4 : i32
      %dma_wait3A_481 = arith.constant 0 : i32
      %dma_wait3A_482 = arith.constant 0 : i32
      %dma_wait3A_483 = tpu.memref_slice %arg9[%dma_wait3A_480, %dma_wait3A_481, %dma_wait3A_482] : memref<8x128x64xf32, #tpu.memory_space<vmem>> -> memref<1x128x64xf32, #tpu.memory_space<vmem>>
      %dma_wait3A_484 = tpu.memref_squeeze %dma_wait3A_483 : memref<1x128x64xf32, #tpu.memory_space<vmem>> -> memref<128x64xf32, #tpu.memory_space<vmem>>
      %dma_wait3A_485 = arith.constant 0 : i32
      %dma_wait3A_486 = tpu.memref_slice %arg7[%add3A_479, %dma_wait3A_485] : memref<28x128xi32, #tpu.memory_space<vmem>> -> memref<1x128xi32, #tpu.memory_space<vmem>>
      %dma_wait3A_487 = tpu.memref_squeeze %dma_wait3A_486 : memref<1x128xi32, #tpu.memory_space<vmem>> -> memref<128xi32, #tpu.memory_space<vmem>>
      %dma_wait3A_488 = arith.constant 0 : i32
      %dma_wait3A_489 = arith.constant 0 : i32
      %dma_wait3A_490 = tpu.memref_slice %arg2[%dma_wait3A_488, %dma_wait3A_489] : memref<112640x64xf32, #tpu.memory_space<hbm>> -> memref<112640x64xf32, #tpu.memory_space<hbm>>
      tpu.wait_indirect_dma semaphore(%arg15 : memref<!tpu.dma_semaphore, #tpu.memory_space<semaphore_mem>>) src(%dma_wait3A_490 : memref<112640x64xf32, #tpu.memory_space<hbm>>) dst(%dma_wait3A_484 : memref<128x64xf32, #tpu.memory_space<vmem>>)
      %dma_start3A_491 = arith.constant 4 : i32
      %dma_start3A_492 = arith.constant 0 : i32
      %dma_start3A_493 = arith.constant 0 : i32
      %dma_start3A_494 = tpu.memref_slice %arg9[%dma_start3A_491, %dma_start3A_492, %dma_start3A_493] : memref<8x128x64xf32, #tpu.memory_space<vmem>> -> memref<1x128x64xf32, #tpu.memory_space<vmem>>
      %dma_start3A_495 = tpu.memref_squeeze %dma_start3A_494 : memref<1x128x64xf32, #tpu.memory_space<vmem>> -> memref<128x64xf32, #tpu.memory_space<vmem>>
      %dma_start3A_496 = arith.constant 0 : i32
      %dma_start3A_497 = tpu.memref_slice %arg8[%add3A_479, %dma_start3A_496] : memref<28x128xi32, #tpu.memory_space<vmem>> -> memref<1x128xi32, #tpu.memory_space<vmem>>
      %dma_start3A_498 = tpu.memref_squeeze %dma_start3A_497 : memref<1x128xi32, #tpu.memory_space<vmem>> -> memref<128xi32, #tpu.memory_space<vmem>>
      %dma_start3A_499 = arith.constant 0 : i32
      %dma_start3A_500 = arith.constant 0 : i32
      %dma_start3A_501 = tpu.memref_slice %arg10[%dma_start3A_499, %dma_start3A_500] : memref<12590x64xf32, #tpu.memory_space<vmem_shared>> -> memref<12590x64xf32, #tpu.memory_space<vmem_shared>>
      tpu.enqueue_indirect_dma source(%dma_start3A_495 : memref<128x64xf32, #tpu.memory_space<vmem>>) target(%dma_start3A_501 : memref<12590x64xf32, #tpu.memory_space<vmem_shared>>) offsets(%dma_start3A_498 : memref<128xi32, #tpu.memory_space<vmem>>) semaphore(%arg23 : memref<!tpu.dma_semaphore, #tpu.memory_space<semaphore_mem>>) {add = true}
      %sub3A_502 = arith.constant 4 : i32
      %sub3A_503 = arith.subi %add3A_479, %sub3A_502 : i32
      %ge3A_504 = arith.constant 0 : i32
      %ge3A_505 = arith.cmpi sge, %sub3A_503, %ge3A_504 : i32
      %convert_element_type3A_506 = arith.extui %ge3A_505 : i1 to i32
      %cond3A_507 = arith.constant 0 : i32
      %cond3A_508 = arith.cmpi ne, %convert_element_type3A_506, %cond3A_507 : i32
      scf.if %cond3A_508 {
        %dma_wait3A_642 = arith.constant 0 : i32
        %dma_wait3A_643 = arith.constant 0 : i32
        %dma_wait3A_644 = arith.constant 0 : i32
        %dma_wait3A_645 = tpu.memref_slice %arg9[%dma_wait3A_642, %dma_wait3A_643, %dma_wait3A_644] : memref<8x128x64xf32, #tpu.memory_space<vmem>> -> memref<1x128x64xf32, #tpu.memory_space<vmem>>
        %dma_wait3A_646 = tpu.memref_squeeze %dma_wait3A_645 : memref<1x128x64xf32, #tpu.memory_space<vmem>> -> memref<128x64xf32, #tpu.memory_space<vmem>>
        %dma_wait3A_647 = arith.constant 0 : i32
        %dma_wait3A_648 = tpu.memref_slice %arg8[%sub3A_503, %dma_wait3A_647] : memref<28x128xi32, #tpu.memory_space<vmem>> -> memref<1x128xi32, #tpu.memory_space<vmem>>
        %dma_wait3A_649 = tpu.memref_squeeze %dma_wait3A_648 : memref<1x128xi32, #tpu.memory_space<vmem>> -> memref<128xi32, #tpu.memory_space<vmem>>
        %dma_wait3A_650 = arith.constant 0 : i32
        %dma_wait3A_651 = arith.constant 0 : i32
        %dma_wait3A_652 = tpu.memref_slice %arg10[%dma_wait3A_650, %dma_wait3A_651] : memref<12590x64xf32, #tpu.memory_space<vmem_shared>> -> memref<12590x64xf32, #tpu.memory_space<vmem_shared>>
        tpu.wait_indirect_dma semaphore(%arg19 : memref<!tpu.dma_semaphore, #tpu.memory_space<semaphore_mem>>) src(%dma_wait3A_646 : memref<128x64xf32, #tpu.memory_space<vmem>>) dst(%dma_wait3A_652 : memref<12590x64xf32, #tpu.memory_space<vmem_shared>>)
      } else {
      }
      %ge3A_509 = arith.constant 0 : i32
      %ge3A_510 = arith.cmpi sge, %sub3A_503, %ge3A_509 : i32
      %add3A_511 = arith.constant 8 : i32
      %add3A_512 = arith.addi %sub3A_503, %add3A_511 : i32
      %lt3A_513 = arith.constant 28 : i32
      %lt3A_514 = arith.cmpi slt, %add3A_512, %lt3A_513 : i32
      %and3A_515 = arith.andi %ge3A_510, %lt3A_514 : i1
      %convert_element_type3A_516 = arith.extui %and3A_515 : i1 to i32
      %cond3A_517 = arith.constant 0 : i32
      %cond3A_518 = arith.cmpi ne, %convert_element_type3A_516, %cond3A_517 : i32
      scf.if %cond3A_518 {
        %add3A_642 = arith.constant 8 : i32
        %add3A_643 = arith.addi %sub3A_503, %add3A_642 : i32
        %dma_start3A_644 = arith.constant 0 : i32
        %dma_start3A_645 = arith.constant 0 : i32
        %dma_start3A_646 = arith.constant 0 : i32
        %dma_start3A_647 = tpu.memref_slice %arg9[%dma_start3A_644, %dma_start3A_645, %dma_start3A_646] : memref<8x128x64xf32, #tpu.memory_space<vmem>> -> memref<1x128x64xf32, #tpu.memory_space<vmem>>
        %dma_start3A_648 = tpu.memref_squeeze %dma_start3A_647 : memref<1x128x64xf32, #tpu.memory_space<vmem>> -> memref<128x64xf32, #tpu.memory_space<vmem>>
        %dma_start3A_649 = arith.constant 0 : i32
        %dma_start3A_650 = tpu.memref_slice %arg7[%add3A_643, %dma_start3A_649] : memref<28x128xi32, #tpu.memory_space<vmem>> -> memref<1x128xi32, #tpu.memory_space<vmem>>
        %dma_start3A_651 = tpu.memref_squeeze %dma_start3A_650 : memref<1x128xi32, #tpu.memory_space<vmem>> -> memref<128xi32, #tpu.memory_space<vmem>>
        %dma_start3A_652 = arith.constant 0 : i32
        %dma_start3A_653 = arith.constant 0 : i32
        %dma_start3A_654 = tpu.memref_slice %arg2[%dma_start3A_652, %dma_start3A_653] : memref<112640x64xf32, #tpu.memory_space<hbm>> -> memref<112640x64xf32, #tpu.memory_space<hbm>>
        tpu.enqueue_indirect_dma source(%dma_start3A_654 : memref<112640x64xf32, #tpu.memory_space<hbm>>) target(%dma_start3A_648 : memref<128x64xf32, #tpu.memory_space<vmem>>) offsets(%dma_start3A_651 : memref<128xi32, #tpu.memory_space<vmem>>) semaphore(%arg11 : memref<!tpu.dma_semaphore, #tpu.memory_space<semaphore_mem>>)
      } else {
      }
      %add3A_519 = arith.constant 5 : i32
      %add3A_520 = arith.addi %add3A_316, %add3A_519 : i32
      %dma_wait3A_521 = arith.constant 5 : i32
      %dma_wait3A_522 = arith.constant 0 : i32
      %dma_wait3A_523 = arith.constant 0 : i32
      %dma_wait3A_524 = tpu.memref_slice %arg9[%dma_wait3A_521, %dma_wait3A_522, %dma_wait3A_523] : memref<8x128x64xf32, #tpu.memory_space<vmem>> -> memref<1x128x64xf32, #tpu.memory_space<vmem>>
      %dma_wait3A_525 = tpu.memref_squeeze %dma_wait3A_524 : memref<1x128x64xf32, #tpu.memory_space<vmem>> -> memref<128x64xf32, #tpu.memory_space<vmem>>
      %dma_wait3A_526 = arith.constant 0 : i32
      %dma_wait3A_527 = tpu.memref_slice %arg7[%add3A_520, %dma_wait3A_526] : memref<28x128xi32, #tpu.memory_space<vmem>> -> memref<1x128xi32, #tpu.memory_space<vmem>>
      %dma_wait3A_528 = tpu.memref_squeeze %dma_wait3A_527 : memref<1x128xi32, #tpu.memory_space<vmem>> -> memref<128xi32, #tpu.memory_space<vmem>>
      %dma_wait3A_529 = arith.constant 0 : i32
      %dma_wait3A_530 = arith.constant 0 : i32
      %dma_wait3A_531 = tpu.memref_slice %arg2[%dma_wait3A_529, %dma_wait3A_530] : memref<112640x64xf32, #tpu.memory_space<hbm>> -> memref<112640x64xf32, #tpu.memory_space<hbm>>
      tpu.wait_indirect_dma semaphore(%arg16 : memref<!tpu.dma_semaphore, #tpu.memory_space<semaphore_mem>>) src(%dma_wait3A_531 : memref<112640x64xf32, #tpu.memory_space<hbm>>) dst(%dma_wait3A_525 : memref<128x64xf32, #tpu.memory_space<vmem>>)
      %dma_start3A_532 = arith.constant 5 : i32
      %dma_start3A_533 = arith.constant 0 : i32
      %dma_start3A_534 = arith.constant 0 : i32
      %dma_start3A_535 = tpu.memref_slice %arg9[%dma_start3A_532, %dma_start3A_533, %dma_start3A_534] : memref<8x128x64xf32, #tpu.memory_space<vmem>> -> memref<1x128x64xf32, #tpu.memory_space<vmem>>
      %dma_start3A_536 = tpu.memref_squeeze %dma_start3A_535 : memref<1x128x64xf32, #tpu.memory_space<vmem>> -> memref<128x64xf32, #tpu.memory_space<vmem>>
      %dma_start3A_537 = arith.constant 0 : i32
      %dma_start3A_538 = tpu.memref_slice %arg8[%add3A_520, %dma_start3A_537] : memref<28x128xi32, #tpu.memory_space<vmem>> -> memref<1x128xi32, #tpu.memory_space<vmem>>
      %dma_start3A_539 = tpu.memref_squeeze %dma_start3A_538 : memref<1x128xi32, #tpu.memory_space<vmem>> -> memref<128xi32, #tpu.memory_space<vmem>>
      %dma_start3A_540 = arith.constant 0 : i32
      %dma_start3A_541 = arith.constant 0 : i32
      %dma_start3A_542 = tpu.memref_slice %arg10[%dma_start3A_540, %dma_start3A_541] : memref<12590x64xf32, #tpu.memory_space<vmem_shared>> -> memref<12590x64xf32, #tpu.memory_space<vmem_shared>>
      tpu.enqueue_indirect_dma source(%dma_start3A_536 : memref<128x64xf32, #tpu.memory_space<vmem>>) target(%dma_start3A_542 : memref<12590x64xf32, #tpu.memory_space<vmem_shared>>) offsets(%dma_start3A_539 : memref<128xi32, #tpu.memory_space<vmem>>) semaphore(%arg24 : memref<!tpu.dma_semaphore, #tpu.memory_space<semaphore_mem>>) {add = true}
      %sub3A_543 = arith.constant 4 : i32
      %sub3A_544 = arith.subi %add3A_520, %sub3A_543 : i32
      %ge3A_545 = arith.constant 0 : i32
      %ge3A_546 = arith.cmpi sge, %sub3A_544, %ge3A_545 : i32
      %convert_element_type3A_547 = arith.extui %ge3A_546 : i1 to i32
      %cond3A_548 = arith.constant 0 : i32
      %cond3A_549 = arith.cmpi ne, %convert_element_type3A_547, %cond3A_548 : i32
      scf.if %cond3A_549 {
        %dma_wait3A_642 = arith.constant 1 : i32
        %dma_wait3A_643 = arith.constant 0 : i32
        %dma_wait3A_644 = arith.constant 0 : i32
        %dma_wait3A_645 = tpu.memref_slice %arg9[%dma_wait3A_642, %dma_wait3A_643, %dma_wait3A_644] : memref<8x128x64xf32, #tpu.memory_space<vmem>> -> memref<1x128x64xf32, #tpu.memory_space<vmem>>
        %dma_wait3A_646 = tpu.memref_squeeze %dma_wait3A_645 : memref<1x128x64xf32, #tpu.memory_space<vmem>> -> memref<128x64xf32, #tpu.memory_space<vmem>>
        %dma_wait3A_647 = arith.constant 0 : i32
        %dma_wait3A_648 = tpu.memref_slice %arg8[%sub3A_544, %dma_wait3A_647] : memref<28x128xi32, #tpu.memory_space<vmem>> -> memref<1x128xi32, #tpu.memory_space<vmem>>
        %dma_wait3A_649 = tpu.memref_squeeze %dma_wait3A_648 : memref<1x128xi32, #tpu.memory_space<vmem>> -> memref<128xi32, #tpu.memory_space<vmem>>
        %dma_wait3A_650 = arith.constant 0 : i32
        %dma_wait3A_651 = arith.constant 0 : i32
        %dma_wait3A_652 = tpu.memref_slice %arg10[%dma_wait3A_650, %dma_wait3A_651] : memref<12590x64xf32, #tpu.memory_space<vmem_shared>> -> memref<12590x64xf32, #tpu.memory_space<vmem_shared>>
        tpu.wait_indirect_dma semaphore(%arg20 : memref<!tpu.dma_semaphore, #tpu.memory_space<semaphore_mem>>) src(%dma_wait3A_646 : memref<128x64xf32, #tpu.memory_space<vmem>>) dst(%dma_wait3A_652 : memref<12590x64xf32, #tpu.memory_space<vmem_shared>>)
      } else {
      }
      %ge3A_550 = arith.constant 0 : i32
      %ge3A_551 = arith.cmpi sge, %sub3A_544, %ge3A_550 : i32
      %add3A_552 = arith.constant 8 : i32
      %add3A_553 = arith.addi %sub3A_544, %add3A_552 : i32
      %lt3A_554 = arith.constant 28 : i32
      %lt3A_555 = arith.cmpi slt, %add3A_553, %lt3A_554 : i32
      %and3A_556 = arith.andi %ge3A_551, %lt3A_555 : i1
      %convert_element_type3A_557 = arith.extui %and3A_556 : i1 to i32
      %cond3A_558 = arith.constant 0 : i32
      %cond3A_559 = arith.cmpi ne, %convert_element_type3A_557, %cond3A_558 : i32
      scf.if %cond3A_559 {
        %add3A_642 = arith.constant 8 : i32
        %add3A_643 = arith.addi %sub3A_544, %add3A_642 : i32
        %dma_start3A_644 = arith.constant 1 : i32
        %dma_start3A_645 = arith.constant 0 : i32
        %dma_start3A_646 = arith.constant 0 : i32
        %dma_start3A_647 = tpu.memref_slice %arg9[%dma_start3A_644, %dma_start3A_645, %dma_start3A_646] : memref<8x128x64xf32, #tpu.memory_space<vmem>> -> memref<1x128x64xf32, #tpu.memory_space<vmem>>
        %dma_start3A_648 = tpu.memref_squeeze %dma_start3A_647 : memref<1x128x64xf32, #tpu.memory_space<vmem>> -> memref<128x64xf32, #tpu.memory_space<vmem>>
        %dma_start3A_649 = arith.constant 0 : i32
        %dma_start3A_650 = tpu.memref_slice %arg7[%add3A_643, %dma_start3A_649] : memref<28x128xi32, #tpu.memory_space<vmem>> -> memref<1x128xi32, #tpu.memory_space<vmem>>
        %dma_start3A_651 = tpu.memref_squeeze %dma_start3A_650 : memref<1x128xi32, #tpu.memory_space<vmem>> -> memref<128xi32, #tpu.memory_space<vmem>>
        %dma_start3A_652 = arith.constant 0 : i32
        %dma_start3A_653 = arith.constant 0 : i32
        %dma_start3A_654 = tpu.memref_slice %arg2[%dma_start3A_652, %dma_start3A_653] : memref<112640x64xf32, #tpu.memory_space<hbm>> -> memref<112640x64xf32, #tpu.memory_space<hbm>>
        tpu.enqueue_indirect_dma source(%dma_start3A_654 : memref<112640x64xf32, #tpu.memory_space<hbm>>) target(%dma_start3A_648 : memref<128x64xf32, #tpu.memory_space<vmem>>) offsets(%dma_start3A_651 : memref<128xi32, #tpu.memory_space<vmem>>) semaphore(%arg12 : memref<!tpu.dma_semaphore, #tpu.memory_space<semaphore_mem>>)
      } else {
      }
      %add3A_560 = arith.constant 6 : i32
      %add3A_561 = arith.addi %add3A_316, %add3A_560 : i32
      %dma_wait3A_562 = arith.constant 6 : i32
      %dma_wait3A_563 = arith.constant 0 : i32
      %dma_wait3A_564 = arith.constant 0 : i32
      %dma_wait3A_565 = tpu.memref_slice %arg9[%dma_wait3A_562, %dma_wait3A_563, %dma_wait3A_564] : memref<8x128x64xf32, #tpu.memory_space<vmem>> -> memref<1x128x64xf32, #tpu.memory_space<vmem>>
      %dma_wait3A_566 = tpu.memref_squeeze %dma_wait3A_565 : memref<1x128x64xf32, #tpu.memory_space<vmem>> -> memref<128x64xf32, #tpu.memory_space<vmem>>
      %dma_wait3A_567 = arith.constant 0 : i32
      %dma_wait3A_568 = tpu.memref_slice %arg7[%add3A_561, %dma_wait3A_567] : memref<28x128xi32, #tpu.memory_space<vmem>> -> memref<1x128xi32, #tpu.memory_space<vmem>>
      %dma_wait3A_569 = tpu.memref_squeeze %dma_wait3A_568 : memref<1x128xi32, #tpu.memory_space<vmem>> -> memref<128xi32, #tpu.memory_space<vmem>>
      %dma_wait3A_570 = arith.constant 0 : i32
      %dma_wait3A_571 = arith.constant 0 : i32
      %dma_wait3A_572 = tpu.memref_slice %arg2[%dma_wait3A_570, %dma_wait3A_571] : memref<112640x64xf32, #tpu.memory_space<hbm>> -> memref<112640x64xf32, #tpu.memory_space<hbm>>
      tpu.wait_indirect_dma semaphore(%arg17 : memref<!tpu.dma_semaphore, #tpu.memory_space<semaphore_mem>>) src(%dma_wait3A_572 : memref<112640x64xf32, #tpu.memory_space<hbm>>) dst(%dma_wait3A_566 : memref<128x64xf32, #tpu.memory_space<vmem>>)
      %dma_start3A_573 = arith.constant 6 : i32
      %dma_start3A_574 = arith.constant 0 : i32
      %dma_start3A_575 = arith.constant 0 : i32
      %dma_start3A_576 = tpu.memref_slice %arg9[%dma_start3A_573, %dma_start3A_574, %dma_start3A_575] : memref<8x128x64xf32, #tpu.memory_space<vmem>> -> memref<1x128x64xf32, #tpu.memory_space<vmem>>
      %dma_start3A_577 = tpu.memref_squeeze %dma_start3A_576 : memref<1x128x64xf32, #tpu.memory_space<vmem>> -> memref<128x64xf32, #tpu.memory_space<vmem>>
      %dma_start3A_578 = arith.constant 0 : i32
      %dma_start3A_579 = tpu.memref_slice %arg8[%add3A_561, %dma_start3A_578] : memref<28x128xi32, #tpu.memory_space<vmem>> -> memref<1x128xi32, #tpu.memory_space<vmem>>
      %dma_start3A_580 = tpu.memref_squeeze %dma_start3A_579 : memref<1x128xi32, #tpu.memory_space<vmem>> -> memref<128xi32, #tpu.memory_space<vmem>>
      %dma_start3A_581 = arith.constant 0 : i32
      %dma_start3A_582 = arith.constant 0 : i32
      %dma_start3A_583 = tpu.memref_slice %arg10[%dma_start3A_581, %dma_start3A_582] : memref<12590x64xf32, #tpu.memory_space<vmem_shared>> -> memref<12590x64xf32, #tpu.memory_space<vmem_shared>>
      tpu.enqueue_indirect_dma source(%dma_start3A_577 : memref<128x64xf32, #tpu.memory_space<vmem>>) target(%dma_start3A_583 : memref<12590x64xf32, #tpu.memory_space<vmem_shared>>) offsets(%dma_start3A_580 : memref<128xi32, #tpu.memory_space<vmem>>) semaphore(%arg25 : memref<!tpu.dma_semaphore, #tpu.memory_space<semaphore_mem>>) {add = true}
      %sub3A_584 = arith.constant 4 : i32
      %sub3A_585 = arith.subi %add3A_561, %sub3A_584 : i32
      %ge3A_586 = arith.constant 0 : i32
      %ge3A_587 = arith.cmpi sge, %sub3A_585, %ge3A_586 : i32
      %convert_element_type3A_588 = arith.extui %ge3A_587 : i1 to i32
      %cond3A_589 = arith.constant 0 : i32
      %cond3A_590 = arith.cmpi ne, %convert_element_type3A_588, %cond3A_589 : i32
      scf.if %cond3A_590 {
        %dma_wait3A_642 = arith.constant 2 : i32
        %dma_wait3A_643 = arith.constant 0 : i32
        %dma_wait3A_644 = arith.constant 0 : i32
        %dma_wait3A_645 = tpu.memref_slice %arg9[%dma_wait3A_642, %dma_wait3A_643, %dma_wait3A_644] : memref<8x128x64xf32, #tpu.memory_space<vmem>> -> memref<1x128x64xf32, #tpu.memory_space<vmem>>
        %dma_wait3A_646 = tpu.memref_squeeze %dma_wait3A_645 : memref<1x128x64xf32, #tpu.memory_space<vmem>> -> memref<128x64xf32, #tpu.memory_space<vmem>>
        %dma_wait3A_647 = arith.constant 0 : i32
        %dma_wait3A_648 = tpu.memref_slice %arg8[%sub3A_585, %dma_wait3A_647] : memref<28x128xi32, #tpu.memory_space<vmem>> -> memref<1x128xi32, #tpu.memory_space<vmem>>
        %dma_wait3A_649 = tpu.memref_squeeze %dma_wait3A_648 : memref<1x128xi32, #tpu.memory_space<vmem>> -> memref<128xi32, #tpu.memory_space<vmem>>
        %dma_wait3A_650 = arith.constant 0 : i32
        %dma_wait3A_651 = arith.constant 0 : i32
        %dma_wait3A_652 = tpu.memref_slice %arg10[%dma_wait3A_650, %dma_wait3A_651] : memref<12590x64xf32, #tpu.memory_space<vmem_shared>> -> memref<12590x64xf32, #tpu.memory_space<vmem_shared>>
        tpu.wait_indirect_dma semaphore(%arg21 : memref<!tpu.dma_semaphore, #tpu.memory_space<semaphore_mem>>) src(%dma_wait3A_646 : memref<128x64xf32, #tpu.memory_space<vmem>>) dst(%dma_wait3A_652 : memref<12590x64xf32, #tpu.memory_space<vmem_shared>>)
      } else {
      }
      %ge3A_591 = arith.constant 0 : i32
      %ge3A_592 = arith.cmpi sge, %sub3A_585, %ge3A_591 : i32
      %add3A_593 = arith.constant 8 : i32
      %add3A_594 = arith.addi %sub3A_585, %add3A_593 : i32
      %lt3A_595 = arith.constant 28 : i32
      %lt3A_596 = arith.cmpi slt, %add3A_594, %lt3A_595 : i32
      %and3A_597 = arith.andi %ge3A_592, %lt3A_596 : i1
      %convert_element_type3A_598 = arith.extui %and3A_597 : i1 to i32
      %cond3A_599 = arith.constant 0 : i32
      %cond3A_600 = arith.cmpi ne, %convert_element_type3A_598, %cond3A_599 : i32
      scf.if %cond3A_600 {
        %add3A_642 = arith.constant 8 : i32
        %add3A_643 = arith.addi %sub3A_585, %add3A_642 : i32
        %dma_start3A_644 = arith.constant 2 : i32
        %dma_start3A_645 = arith.constant 0 : i32
        %dma_start3A_646 = arith.constant 0 : i32
        %dma_start3A_647 = tpu.memref_slice %arg9[%dma_start3A_644, %dma_start3A_645, %dma_start3A_646] : memref<8x128x64xf32, #tpu.memory_space<vmem>> -> memref<1x128x64xf32, #tpu.memory_space<vmem>>
        %dma_start3A_648 = tpu.memref_squeeze %dma_start3A_647 : memref<1x128x64xf32, #tpu.memory_space<vmem>> -> memref<128x64xf32, #tpu.memory_space<vmem>>
        %dma_start3A_649 = arith.constant 0 : i32
        %dma_start3A_650 = tpu.memref_slice %arg7[%add3A_643, %dma_start3A_649] : memref<28x128xi32, #tpu.memory_space<vmem>> -> memref<1x128xi32, #tpu.memory_space<vmem>>
        %dma_start3A_651 = tpu.memref_squeeze %dma_start3A_650 : memref<1x128xi32, #tpu.memory_space<vmem>> -> memref<128xi32, #tpu.memory_space<vmem>>
        %dma_start3A_652 = arith.constant 0 : i32
        %dma_start3A_653 = arith.constant 0 : i32
        %dma_start3A_654 = tpu.memref_slice %arg2[%dma_start3A_652, %dma_start3A_653] : memref<112640x64xf32, #tpu.memory_space<hbm>> -> memref<112640x64xf32, #tpu.memory_space<hbm>>
        tpu.enqueue_indirect_dma source(%dma_start3A_654 : memref<112640x64xf32, #tpu.memory_space<hbm>>) target(%dma_start3A_648 : memref<128x64xf32, #tpu.memory_space<vmem>>) offsets(%dma_start3A_651 : memref<128xi32, #tpu.memory_space<vmem>>) semaphore(%arg13 : memref<!tpu.dma_semaphore, #tpu.memory_space<semaphore_mem>>)
      } else {
      }
      %add3A_601 = arith.constant 7 : i32
      %add3A_602 = arith.addi %add3A_316, %add3A_601 : i32
      %dma_wait3A_603 = arith.constant 7 : i32
      %dma_wait3A_604 = arith.constant 0 : i32
      %dma_wait3A_605 = arith.constant 0 : i32
      %dma_wait3A_606 = tpu.memref_slice %arg9[%dma_wait3A_603, %dma_wait3A_604, %dma_wait3A_605] : memref<8x128x64xf32, #tpu.memory_space<vmem>> -> memref<1x128x64xf32, #tpu.memory_space<vmem>>
      %dma_wait3A_607 = tpu.memref_squeeze %dma_wait3A_606 : memref<1x128x64xf32, #tpu.memory_space<vmem>> -> memref<128x64xf32, #tpu.memory_space<vmem>>
      %dma_wait3A_608 = arith.constant 0 : i32
      %dma_wait3A_609 = tpu.memref_slice %arg7[%add3A_602, %dma_wait3A_608] : memref<28x128xi32, #tpu.memory_space<vmem>> -> memref<1x128xi32, #tpu.memory_space<vmem>>
      %dma_wait3A_610 = tpu.memref_squeeze %dma_wait3A_609 : memref<1x128xi32, #tpu.memory_space<vmem>> -> memref<128xi32, #tpu.memory_space<vmem>>
      %dma_wait3A_611 = arith.constant 0 : i32
      %dma_wait3A_612 = arith.constant 0 : i32
      %dma_wait3A_613 = tpu.memref_slice %arg2[%dma_wait3A_611, %dma_wait3A_612] : memref<112640x64xf32, #tpu.memory_space<hbm>> -> memref<112640x64xf32, #tpu.memory_space<hbm>>
      tpu.wait_indirect_dma semaphore(%arg18 : memref<!tpu.dma_semaphore, #tpu.memory_space<semaphore_mem>>) src(%dma_wait3A_613 : memref<112640x64xf32, #tpu.memory_space<hbm>>) dst(%dma_wait3A_607 : memref<128x64xf32, #tpu.memory_space<vmem>>)
      %dma_start3A_614 = arith.constant 7 : i32
      %dma_start3A_615 = arith.constant 0 : i32
      %dma_start3A_616 = arith.constant 0 : i32
      %dma_start3A_617 = tpu.memref_slice %arg9[%dma_start3A_614, %dma_start3A_615, %dma_start3A_616] : memref<8x128x64xf32, #tpu.memory_space<vmem>> -> memref<1x128x64xf32, #tpu.memory_space<vmem>>
      %dma_start3A_618 = tpu.memref_squeeze %dma_start3A_617 : memref<1x128x64xf32, #tpu.memory_space<vmem>> -> memref<128x64xf32, #tpu.memory_space<vmem>>
      %dma_start3A_619 = arith.constant 0 : i32
      %dma_start3A_620 = tpu.memref_slice %arg8[%add3A_602, %dma_start3A_619] : memref<28x128xi32, #tpu.memory_space<vmem>> -> memref<1x128xi32, #tpu.memory_space<vmem>>
      %dma_start3A_621 = tpu.memref_squeeze %dma_start3A_620 : memref<1x128xi32, #tpu.memory_space<vmem>> -> memref<128xi32, #tpu.memory_space<vmem>>
      %dma_start3A_622 = arith.constant 0 : i32
      %dma_start3A_623 = arith.constant 0 : i32
      %dma_start3A_624 = tpu.memref_slice %arg10[%dma_start3A_622, %dma_start3A_623] : memref<12590x64xf32, #tpu.memory_space<vmem_shared>> -> memref<12590x64xf32, #tpu.memory_space<vmem_shared>>
      tpu.enqueue_indirect_dma source(%dma_start3A_618 : memref<128x64xf32, #tpu.memory_space<vmem>>) target(%dma_start3A_624 : memref<12590x64xf32, #tpu.memory_space<vmem_shared>>) offsets(%dma_start3A_621 : memref<128xi32, #tpu.memory_space<vmem>>) semaphore(%arg26 : memref<!tpu.dma_semaphore, #tpu.memory_space<semaphore_mem>>) {add = true}
      %sub3A_625 = arith.constant 4 : i32
      %sub3A_626 = arith.subi %add3A_602, %sub3A_625 : i32
      %ge3A_627 = arith.constant 0 : i32
      %ge3A_628 = arith.cmpi sge, %sub3A_626, %ge3A_627 : i32
      %convert_element_type3A_629 = arith.extui %ge3A_628 : i1 to i32
      %cond3A_630 = arith.constant 0 : i32
      %cond3A_631 = arith.cmpi ne, %convert_element_type3A_629, %cond3A_630 : i32
      scf.if %cond3A_631 {
        %dma_wait3A_642 = arith.constant 3 : i32
        %dma_wait3A_643 = arith.constant 0 : i32
        %dma_wait3A_644 = arith.constant 0 : i32
        %dma_wait3A_645 = tpu.memref_slice %arg9[%dma_wait3A_642, %dma_wait3A_643, %dma_wait3A_644] : memref<8x128x64xf32, #tpu.memory_space<vmem>> -> memref<1x128x64xf32, #tpu.memory_space<vmem>>
        %dma_wait3A_646 = tpu.memref_squeeze %dma_wait3A_645 : memref<1x128x64xf32, #tpu.memory_space<vmem>> -> memref<128x64xf32, #tpu.memory_space<vmem>>
        %dma_wait3A_647 = arith.constant 0 : i32
        %dma_wait3A_648 = tpu.memref_slice %arg8[%sub3A_626, %dma_wait3A_647] : memref<28x128xi32, #tpu.memory_space<vmem>> -> memref<1x128xi32, #tpu.memory_space<vmem>>
        %dma_wait3A_649 = tpu.memref_squeeze %dma_wait3A_648 : memref<1x128xi32, #tpu.memory_space<vmem>> -> memref<128xi32, #tpu.memory_space<vmem>>
        %dma_wait3A_650 = arith.constant 0 : i32
        %dma_wait3A_651 = arith.constant 0 : i32
        %dma_wait3A_652 = tpu.memref_slice %arg10[%dma_wait3A_650, %dma_wait3A_651] : memref<12590x64xf32, #tpu.memory_space<vmem_shared>> -> memref<12590x64xf32, #tpu.memory_space<vmem_shared>>
        tpu.wait_indirect_dma semaphore(%arg22 : memref<!tpu.dma_semaphore, #tpu.memory_space<semaphore_mem>>) src(%dma_wait3A_646 : memref<128x64xf32, #tpu.memory_space<vmem>>) dst(%dma_wait3A_652 : memref<12590x64xf32, #tpu.memory_space<vmem_shared>>)
      } else {
      }
      %ge3A_632 = arith.constant 0 : i32
      %ge3A_633 = arith.cmpi sge, %sub3A_626, %ge3A_632 : i32
      %add3A_634 = arith.constant 8 : i32
      %add3A_635 = arith.addi %sub3A_626, %add3A_634 : i32
      %lt3A_636 = arith.constant 28 : i32
      %lt3A_637 = arith.cmpi slt, %add3A_635, %lt3A_636 : i32
      %and3A_638 = arith.andi %ge3A_633, %lt3A_637 : i1
      %convert_element_type3A_639 = arith.extui %and3A_638 : i1 to i32
      %cond3A_640 = arith.constant 0 : i32
      %cond3A_641 = arith.cmpi ne, %convert_element_type3A_639, %cond3A_640 : i32
      scf.if %cond3A_641 {
        %add3A_642 = arith.constant 8 : i32
        %add3A_643 = arith.addi %sub3A_626, %add3A_642 : i32
        %dma_start3A_644 = arith.constant 3 : i32
        %dma_start3A_645 = arith.constant 0 : i32
        %dma_start3A_646 = arith.constant 0 : i32
        %dma_start3A_647 = tpu.memref_slice %arg9[%dma_start3A_644, %dma_start3A_645, %dma_start3A_646] : memref<8x128x64xf32, #tpu.memory_space<vmem>> -> memref<1x128x64xf32, #tpu.memory_space<vmem>>
        %dma_start3A_648 = tpu.memref_squeeze %dma_start3A_647 : memref<1x128x64xf32, #tpu.memory_space<vmem>> -> memref<128x64xf32, #tpu.memory_space<vmem>>
        %dma_start3A_649 = arith.constant 0 : i32
        %dma_start3A_650 = tpu.memref_slice %arg7[%add3A_643, %dma_start3A_649] : memref<28x128xi32, #tpu.memory_space<vmem>> -> memref<1x128xi32, #tpu.memory_space<vmem>>
        %dma_start3A_651 = tpu.memref_squeeze %dma_start3A_650 : memref<1x128xi32, #tpu.memory_space<vmem>> -> memref<128xi32, #tpu.memory_space<vmem>>
        %dma_start3A_652 = arith.constant 0 : i32
        %dma_start3A_653 = arith.constant 0 : i32
        %dma_start3A_654 = tpu.memref_slice %arg2[%dma_start3A_652, %dma_start3A_653] : memref<112640x64xf32, #tpu.memory_space<hbm>> -> memref<112640x64xf32, #tpu.memory_space<hbm>>
        tpu.enqueue_indirect_dma source(%dma_start3A_654 : memref<112640x64xf32, #tpu.memory_space<hbm>>) target(%dma_start3A_648 : memref<128x64xf32, #tpu.memory_space<vmem>>) offsets(%dma_start3A_651 : memref<128xi32, #tpu.memory_space<vmem>>) semaphore(%arg14 : memref<!tpu.dma_semaphore, #tpu.memory_space<semaphore_mem>>)
      } else {
      }
    }
    %scan3A_106 = arith.constant 3 : i32
    %dma_wait3A = arith.constant 24 : i32
    %dma_wait3A_107 = arith.constant 0 : i32
    %dma_wait3A_108 = arith.constant 0 : i32
    %dma_wait3A_109 = arith.constant 0 : i32
    %dma_wait3A_110 = tpu.memref_slice %arg9[%dma_wait3A_107, %dma_wait3A_108, %dma_wait3A_109] : memref<8x128x64xf32, #tpu.memory_space<vmem>> -> memref<1x128x64xf32, #tpu.memory_space<vmem>>
    %dma_wait3A_111 = tpu.memref_squeeze %dma_wait3A_110 : memref<1x128x64xf32, #tpu.memory_space<vmem>> -> memref<128x64xf32, #tpu.memory_space<vmem>>
    %dma_wait3A_112 = arith.constant 0 : i32
    %dma_wait3A_113 = tpu.memref_slice %arg7[%dma_wait3A, %dma_wait3A_112] : memref<28x128xi32, #tpu.memory_space<vmem>> -> memref<1x128xi32, #tpu.memory_space<vmem>>
    %dma_wait3A_114 = tpu.memref_squeeze %dma_wait3A_113 : memref<1x128xi32, #tpu.memory_space<vmem>> -> memref<128xi32, #tpu.memory_space<vmem>>
    %dma_wait3A_115 = arith.constant 0 : i32
    %dma_wait3A_116 = arith.constant 0 : i32
    %dma_wait3A_117 = tpu.memref_slice %arg2[%dma_wait3A_115, %dma_wait3A_116] : memref<112640x64xf32, #tpu.memory_space<hbm>> -> memref<112640x64xf32, #tpu.memory_space<hbm>>
    tpu.wait_indirect_dma semaphore(%arg11 : memref<!tpu.dma_semaphore, #tpu.memory_space<semaphore_mem>>) src(%dma_wait3A_117 : memref<112640x64xf32, #tpu.memory_space<hbm>>) dst(%dma_wait3A_111 : memref<128x64xf32, #tpu.memory_space<vmem>>)
    %dma_start3A_118 = arith.constant 0 : i32
    %dma_start3A_119 = arith.constant 24 : i32
    %dma_start3A_120 = arith.constant 0 : i32
    %dma_start3A_121 = arith.constant 0 : i32
    %dma_start3A_122 = tpu.memref_slice %arg9[%dma_start3A_118, %dma_start3A_120, %dma_start3A_121] : memref<8x128x64xf32, #tpu.memory_space<vmem>> -> memref<1x128x64xf32, #tpu.memory_space<vmem>>
    %dma_start3A_123 = tpu.memref_squeeze %dma_start3A_122 : memref<1x128x64xf32, #tpu.memory_space<vmem>> -> memref<128x64xf32, #tpu.memory_space<vmem>>
    %dma_start3A_124 = arith.constant 0 : i32
    %dma_start3A_125 = tpu.memref_slice %arg8[%dma_start3A_119, %dma_start3A_124] : memref<28x128xi32, #tpu.memory_space<vmem>> -> memref<1x128xi32, #tpu.memory_space<vmem>>
    %dma_start3A_126 = tpu.memref_squeeze %dma_start3A_125 : memref<1x128xi32, #tpu.memory_space<vmem>> -> memref<128xi32, #tpu.memory_space<vmem>>
    %dma_start3A_127 = arith.constant 0 : i32
    %dma_start3A_128 = arith.constant 0 : i32
    %dma_start3A_129 = tpu.memref_slice %arg10[%dma_start3A_127, %dma_start3A_128] : memref<12590x64xf32, #tpu.memory_space<vmem_shared>> -> memref<12590x64xf32, #tpu.memory_space<vmem_shared>>
    tpu.enqueue_indirect_dma source(%dma_start3A_123 : memref<128x64xf32, #tpu.memory_space<vmem>>) target(%dma_start3A_129 : memref<12590x64xf32, #tpu.memory_space<vmem_shared>>) offsets(%dma_start3A_126 : memref<128xi32, #tpu.memory_space<vmem>>) semaphore(%arg19 : memref<!tpu.dma_semaphore, #tpu.memory_space<semaphore_mem>>) {add = true}
    %le3A = arith.constant 0 : i32
    %le3A_130 = arith.constant 20 : i32
    %le3A_131 = arith.cmpi sle, %le3A, %le3A_130 : i32
    %convert_element_type3A = arith.extui %le3A_131 : i1 to i32
    %cond3A = arith.constant 0 : i32
    %cond3A_132 = arith.cmpi ne, %convert_element_type3A, %cond3A : i32
    scf.if %cond3A_132 {
      %dma_wait3A_312 = arith.constant 4 : i32
      %dma_wait3A_313 = arith.constant 20 : i32
      %dma_wait3A_314 = arith.constant 0 : i32
      %dma_wait3A_315 = arith.constant 0 : i32
      %dma_wait3A_316 = tpu.memref_slice %arg9[%dma_wait3A_312, %dma_wait3A_314, %dma_wait3A_315] : memref<8x128x64xf32, #tpu.memory_space<vmem>> -> memref<1x128x64xf32, #tpu.memory_space<vmem>>
      %dma_wait3A_317 = tpu.memref_squeeze %dma_wait3A_316 : memref<1x128x64xf32, #tpu.memory_space<vmem>> -> memref<128x64xf32, #tpu.memory_space<vmem>>
      %dma_wait3A_318 = arith.constant 0 : i32
      %dma_wait3A_319 = tpu.memref_slice %arg8[%dma_wait3A_313, %dma_wait3A_318] : memref<28x128xi32, #tpu.memory_space<vmem>> -> memref<1x128xi32, #tpu.memory_space<vmem>>
      %dma_wait3A_320 = tpu.memref_squeeze %dma_wait3A_319 : memref<1x128xi32, #tpu.memory_space<vmem>> -> memref<128xi32, #tpu.memory_space<vmem>>
      %dma_wait3A_321 = arith.constant 0 : i32
      %dma_wait3A_322 = arith.constant 0 : i32
      %dma_wait3A_323 = tpu.memref_slice %arg10[%dma_wait3A_321, %dma_wait3A_322] : memref<12590x64xf32, #tpu.memory_space<vmem_shared>> -> memref<12590x64xf32, #tpu.memory_space<vmem_shared>>
      tpu.wait_indirect_dma semaphore(%arg23 : memref<!tpu.dma_semaphore, #tpu.memory_space<semaphore_mem>>) src(%dma_wait3A_317 : memref<128x64xf32, #tpu.memory_space<vmem>>) dst(%dma_wait3A_323 : memref<12590x64xf32, #tpu.memory_space<vmem_shared>>)
    } else {
    }
    %le3A_133 = arith.constant 0 : i32
    %le3A_134 = arith.constant 20 : i32
    %le3A_135 = arith.cmpi sle, %le3A_133, %le3A_134 : i32
    %and3A = arith.constant false
    %and3A_136 = arith.andi %le3A_135, %and3A : i1
    %convert_element_type3A_137 = arith.extui %and3A_136 : i1 to i32
    %cond3A_138 = arith.constant 0 : i32
    %cond3A_139 = arith.cmpi ne, %convert_element_type3A_137, %cond3A_138 : i32
    scf.if %cond3A_139 {
      %dma_start3A_312 = arith.constant 28 : i32
      %dma_start3A_313 = arith.constant 4 : i32
      %dma_start3A_314 = arith.constant 0 : i32
      %dma_start3A_315 = arith.constant 0 : i32
      %dma_start3A_316 = tpu.memref_slice %arg9[%dma_start3A_313, %dma_start3A_314, %dma_start3A_315] : memref<8x128x64xf32, #tpu.memory_space<vmem>> -> memref<1x128x64xf32, #tpu.memory_space<vmem>>
      %dma_start3A_317 = tpu.memref_squeeze %dma_start3A_316 : memref<1x128x64xf32, #tpu.memory_space<vmem>> -> memref<128x64xf32, #tpu.memory_space<vmem>>
      %dma_start3A_318 = arith.constant 0 : i32
      %dma_start3A_319 = tpu.memref_slice %arg7[%dma_start3A_312, %dma_start3A_318] : memref<28x128xi32, #tpu.memory_space<vmem>> -> memref<1x128xi32, #tpu.memory_space<vmem>>
      %dma_start3A_320 = tpu.memref_squeeze %dma_start3A_319 : memref<1x128xi32, #tpu.memory_space<vmem>> -> memref<128xi32, #tpu.memory_space<vmem>>
      %dma_start3A_321 = arith.constant 0 : i32
      %dma_start3A_322 = arith.constant 0 : i32
      %dma_start3A_323 = tpu.memref_slice %arg2[%dma_start3A_321, %dma_start3A_322] : memref<112640x64xf32, #tpu.memory_space<hbm>> -> memref<112640x64xf32, #tpu.memory_space<hbm>>
      tpu.enqueue_indirect_dma source(%dma_start3A_323 : memref<112640x64xf32, #tpu.memory_space<hbm>>) target(%dma_start3A_317 : memref<128x64xf32, #tpu.memory_space<vmem>>) offsets(%dma_start3A_320 : memref<128xi32, #tpu.memory_space<vmem>>) semaphore(%arg15 : memref<!tpu.dma_semaphore, #tpu.memory_space<semaphore_mem>>)
    } else {
    }
    %dma_wait3A_140 = arith.constant 25 : i32
    %dma_wait3A_141 = arith.constant 1 : i32
    %dma_wait3A_142 = arith.constant 0 : i32
    %dma_wait3A_143 = arith.constant 0 : i32
    %dma_wait3A_144 = tpu.memref_slice %arg9[%dma_wait3A_141, %dma_wait3A_142, %dma_wait3A_143] : memref<8x128x64xf32, #tpu.memory_space<vmem>> -> memref<1x128x64xf32, #tpu.memory_space<vmem>>
    %dma_wait3A_145 = tpu.memref_squeeze %dma_wait3A_144 : memref<1x128x64xf32, #tpu.memory_space<vmem>> -> memref<128x64xf32, #tpu.memory_space<vmem>>
    %dma_wait3A_146 = arith.constant 0 : i32
    %dma_wait3A_147 = tpu.memref_slice %arg7[%dma_wait3A_140, %dma_wait3A_146] : memref<28x128xi32, #tpu.memory_space<vmem>> -> memref<1x128xi32, #tpu.memory_space<vmem>>
    %dma_wait3A_148 = tpu.memref_squeeze %dma_wait3A_147 : memref<1x128xi32, #tpu.memory_space<vmem>> -> memref<128xi32, #tpu.memory_space<vmem>>
    %dma_wait3A_149 = arith.constant 0 : i32
    %dma_wait3A_150 = arith.constant 0 : i32
    %dma_wait3A_151 = tpu.memref_slice %arg2[%dma_wait3A_149, %dma_wait3A_150] : memref<112640x64xf32, #tpu.memory_space<hbm>> -> memref<112640x64xf32, #tpu.memory_space<hbm>>
    tpu.wait_indirect_dma semaphore(%arg12 : memref<!tpu.dma_semaphore, #tpu.memory_space<semaphore_mem>>) src(%dma_wait3A_151 : memref<112640x64xf32, #tpu.memory_space<hbm>>) dst(%dma_wait3A_145 : memref<128x64xf32, #tpu.memory_space<vmem>>)
    %dma_start3A_152 = arith.constant 1 : i32
    %dma_start3A_153 = arith.constant 25 : i32
    %dma_start3A_154 = arith.constant 0 : i32
    %dma_start3A_155 = arith.constant 0 : i32
    %dma_start3A_156 = tpu.memref_slice %arg9[%dma_start3A_152, %dma_start3A_154, %dma_start3A_155] : memref<8x128x64xf32, #tpu.memory_space<vmem>> -> memref<1x128x64xf32, #tpu.memory_space<vmem>>
    %dma_start3A_157 = tpu.memref_squeeze %dma_start3A_156 : memref<1x128x64xf32, #tpu.memory_space<vmem>> -> memref<128x64xf32, #tpu.memory_space<vmem>>
    %dma_start3A_158 = arith.constant 0 : i32
    %dma_start3A_159 = tpu.memref_slice %arg8[%dma_start3A_153, %dma_start3A_158] : memref<28x128xi32, #tpu.memory_space<vmem>> -> memref<1x128xi32, #tpu.memory_space<vmem>>
    %dma_start3A_160 = tpu.memref_squeeze %dma_start3A_159 : memref<1x128xi32, #tpu.memory_space<vmem>> -> memref<128xi32, #tpu.memory_space<vmem>>
    %dma_start3A_161 = arith.constant 0 : i32
    %dma_start3A_162 = arith.constant 0 : i32
    %dma_start3A_163 = tpu.memref_slice %arg10[%dma_start3A_161, %dma_start3A_162] : memref<12590x64xf32, #tpu.memory_space<vmem_shared>> -> memref<12590x64xf32, #tpu.memory_space<vmem_shared>>
    tpu.enqueue_indirect_dma source(%dma_start3A_157 : memref<128x64xf32, #tpu.memory_space<vmem>>) target(%dma_start3A_163 : memref<12590x64xf32, #tpu.memory_space<vmem_shared>>) offsets(%dma_start3A_160 : memref<128xi32, #tpu.memory_space<vmem>>) semaphore(%arg20 : memref<!tpu.dma_semaphore, #tpu.memory_space<semaphore_mem>>) {add = true}
    %le3A_164 = arith.constant 0 : i32
    %le3A_165 = arith.constant 21 : i32
    %le3A_166 = arith.cmpi sle, %le3A_164, %le3A_165 : i32
    %convert_element_type3A_167 = arith.extui %le3A_166 : i1 to i32
    %cond3A_168 = arith.constant 0 : i32
    %cond3A_169 = arith.cmpi ne, %convert_element_type3A_167, %cond3A_168 : i32
    scf.if %cond3A_169 {
      %dma_wait3A_312 = arith.constant 5 : i32
      %dma_wait3A_313 = arith.constant 21 : i32
      %dma_wait3A_314 = arith.constant 0 : i32
      %dma_wait3A_315 = arith.constant 0 : i32
      %dma_wait3A_316 = tpu.memref_slice %arg9[%dma_wait3A_312, %dma_wait3A_314, %dma_wait3A_315] : memref<8x128x64xf32, #tpu.memory_space<vmem>> -> memref<1x128x64xf32, #tpu.memory_space<vmem>>
      %dma_wait3A_317 = tpu.memref_squeeze %dma_wait3A_316 : memref<1x128x64xf32, #tpu.memory_space<vmem>> -> memref<128x64xf32, #tpu.memory_space<vmem>>
      %dma_wait3A_318 = arith.constant 0 : i32
      %dma_wait3A_319 = tpu.memref_slice %arg8[%dma_wait3A_313, %dma_wait3A_318] : memref<28x128xi32, #tpu.memory_space<vmem>> -> memref<1x128xi32, #tpu.memory_space<vmem>>
      %dma_wait3A_320 = tpu.memref_squeeze %dma_wait3A_319 : memref<1x128xi32, #tpu.memory_space<vmem>> -> memref<128xi32, #tpu.memory_space<vmem>>
      %dma_wait3A_321 = arith.constant 0 : i32
      %dma_wait3A_322 = arith.constant 0 : i32
      %dma_wait3A_323 = tpu.memref_slice %arg10[%dma_wait3A_321, %dma_wait3A_322] : memref<12590x64xf32, #tpu.memory_space<vmem_shared>> -> memref<12590x64xf32, #tpu.memory_space<vmem_shared>>
      tpu.wait_indirect_dma semaphore(%arg24 : memref<!tpu.dma_semaphore, #tpu.memory_space<semaphore_mem>>) src(%dma_wait3A_317 : memref<128x64xf32, #tpu.memory_space<vmem>>) dst(%dma_wait3A_323 : memref<12590x64xf32, #tpu.memory_space<vmem_shared>>)
    } else {
    }
    %le3A_170 = arith.constant 0 : i32
    %le3A_171 = arith.constant 21 : i32
    %le3A_172 = arith.cmpi sle, %le3A_170, %le3A_171 : i32
    %and3A_173 = arith.constant false
    %and3A_174 = arith.andi %le3A_172, %and3A_173 : i1
    %convert_element_type3A_175 = arith.extui %and3A_174 : i1 to i32
    %cond3A_176 = arith.constant 0 : i32
    %cond3A_177 = arith.cmpi ne, %convert_element_type3A_175, %cond3A_176 : i32
    scf.if %cond3A_177 {
      %dma_start3A_312 = arith.constant 29 : i32
      %dma_start3A_313 = arith.constant 5 : i32
      %dma_start3A_314 = arith.constant 0 : i32
      %dma_start3A_315 = arith.constant 0 : i32
      %dma_start3A_316 = tpu.memref_slice %arg9[%dma_start3A_313, %dma_start3A_314, %dma_start3A_315] : memref<8x128x64xf32, #tpu.memory_space<vmem>> -> memref<1x128x64xf32, #tpu.memory_space<vmem>>
      %dma_start3A_317 = tpu.memref_squeeze %dma_start3A_316 : memref<1x128x64xf32, #tpu.memory_space<vmem>> -> memref<128x64xf32, #tpu.memory_space<vmem>>
      %dma_start3A_318 = arith.constant 0 : i32
      %dma_start3A_319 = tpu.memref_slice %arg7[%dma_start3A_312, %dma_start3A_318] : memref<28x128xi32, #tpu.memory_space<vmem>> -> memref<1x128xi32, #tpu.memory_space<vmem>>
      %dma_start3A_320 = tpu.memref_squeeze %dma_start3A_319 : memref<1x128xi32, #tpu.memory_space<vmem>> -> memref<128xi32, #tpu.memory_space<vmem>>
      %dma_start3A_321 = arith.constant 0 : i32
      %dma_start3A_322 = arith.constant 0 : i32
      %dma_start3A_323 = tpu.memref_slice %arg2[%dma_start3A_321, %dma_start3A_322] : memref<112640x64xf32, #tpu.memory_space<hbm>> -> memref<112640x64xf32, #tpu.memory_space<hbm>>
      tpu.enqueue_indirect_dma source(%dma_start3A_323 : memref<112640x64xf32, #tpu.memory_space<hbm>>) target(%dma_start3A_317 : memref<128x64xf32, #tpu.memory_space<vmem>>) offsets(%dma_start3A_320 : memref<128xi32, #tpu.memory_space<vmem>>) semaphore(%arg16 : memref<!tpu.dma_semaphore, #tpu.memory_space<semaphore_mem>>)
    } else {
    }
    %dma_wait3A_178 = arith.constant 26 : i32
    %dma_wait3A_179 = arith.constant 2 : i32
    %dma_wait3A_180 = arith.constant 0 : i32
    %dma_wait3A_181 = arith.constant 0 : i32
    %dma_wait3A_182 = tpu.memref_slice %arg9[%dma_wait3A_179, %dma_wait3A_180, %dma_wait3A_181] : memref<8x128x64xf32, #tpu.memory_space<vmem>> -> memref<1x128x64xf32, #tpu.memory_space<vmem>>
    %dma_wait3A_183 = tpu.memref_squeeze %dma_wait3A_182 : memref<1x128x64xf32, #tpu.memory_space<vmem>> -> memref<128x64xf32, #tpu.memory_space<vmem>>
    %dma_wait3A_184 = arith.constant 0 : i32
    %dma_wait3A_185 = tpu.memref_slice %arg7[%dma_wait3A_178, %dma_wait3A_184] : memref<28x128xi32, #tpu.memory_space<vmem>> -> memref<1x128xi32, #tpu.memory_space<vmem>>
    %dma_wait3A_186 = tpu.memref_squeeze %dma_wait3A_185 : memref<1x128xi32, #tpu.memory_space<vmem>> -> memref<128xi32, #tpu.memory_space<vmem>>
    %dma_wait3A_187 = arith.constant 0 : i32
    %dma_wait3A_188 = arith.constant 0 : i32
    %dma_wait3A_189 = tpu.memref_slice %arg2[%dma_wait3A_187, %dma_wait3A_188] : memref<112640x64xf32, #tpu.memory_space<hbm>> -> memref<112640x64xf32, #tpu.memory_space<hbm>>
    tpu.wait_indirect_dma semaphore(%arg13 : memref<!tpu.dma_semaphore, #tpu.memory_space<semaphore_mem>>) src(%dma_wait3A_189 : memref<112640x64xf32, #tpu.memory_space<hbm>>) dst(%dma_wait3A_183 : memref<128x64xf32, #tpu.memory_space<vmem>>)
    %dma_start3A_190 = arith.constant 2 : i32
    %dma_start3A_191 = arith.constant 26 : i32
    %dma_start3A_192 = arith.constant 0 : i32
    %dma_start3A_193 = arith.constant 0 : i32
    %dma_start3A_194 = tpu.memref_slice %arg9[%dma_start3A_190, %dma_start3A_192, %dma_start3A_193] : memref<8x128x64xf32, #tpu.memory_space<vmem>> -> memref<1x128x64xf32, #tpu.memory_space<vmem>>
    %dma_start3A_195 = tpu.memref_squeeze %dma_start3A_194 : memref<1x128x64xf32, #tpu.memory_space<vmem>> -> memref<128x64xf32, #tpu.memory_space<vmem>>
    %dma_start3A_196 = arith.constant 0 : i32
    %dma_start3A_197 = tpu.memref_slice %arg8[%dma_start3A_191, %dma_start3A_196] : memref<28x128xi32, #tpu.memory_space<vmem>> -> memref<1x128xi32, #tpu.memory_space<vmem>>
    %dma_start3A_198 = tpu.memref_squeeze %dma_start3A_197 : memref<1x128xi32, #tpu.memory_space<vmem>> -> memref<128xi32, #tpu.memory_space<vmem>>
    %dma_start3A_199 = arith.constant 0 : i32
    %dma_start3A_200 = arith.constant 0 : i32
    %dma_start3A_201 = tpu.memref_slice %arg10[%dma_start3A_199, %dma_start3A_200] : memref<12590x64xf32, #tpu.memory_space<vmem_shared>> -> memref<12590x64xf32, #tpu.memory_space<vmem_shared>>
    tpu.enqueue_indirect_dma source(%dma_start3A_195 : memref<128x64xf32, #tpu.memory_space<vmem>>) target(%dma_start3A_201 : memref<12590x64xf32, #tpu.memory_space<vmem_shared>>) offsets(%dma_start3A_198 : memref<128xi32, #tpu.memory_space<vmem>>) semaphore(%arg21 : memref<!tpu.dma_semaphore, #tpu.memory_space<semaphore_mem>>) {add = true}
    %le3A_202 = arith.constant 0 : i32
    %le3A_203 = arith.constant 22 : i32
    %le3A_204 = arith.cmpi sle, %le3A_202, %le3A_203 : i32
    %convert_element_type3A_205 = arith.extui %le3A_204 : i1 to i32
    %cond3A_206 = arith.constant 0 : i32
    %cond3A_207 = arith.cmpi ne, %convert_element_type3A_205, %cond3A_206 : i32
    scf.if %cond3A_207 {
      %dma_wait3A_312 = arith.constant 6 : i32
      %dma_wait3A_313 = arith.constant 22 : i32
      %dma_wait3A_314 = arith.constant 0 : i32
      %dma_wait3A_315 = arith.constant 0 : i32
      %dma_wait3A_316 = tpu.memref_slice %arg9[%dma_wait3A_312, %dma_wait3A_314, %dma_wait3A_315] : memref<8x128x64xf32, #tpu.memory_space<vmem>> -> memref<1x128x64xf32, #tpu.memory_space<vmem>>
      %dma_wait3A_317 = tpu.memref_squeeze %dma_wait3A_316 : memref<1x128x64xf32, #tpu.memory_space<vmem>> -> memref<128x64xf32, #tpu.memory_space<vmem>>
      %dma_wait3A_318 = arith.constant 0 : i32
      %dma_wait3A_319 = tpu.memref_slice %arg8[%dma_wait3A_313, %dma_wait3A_318] : memref<28x128xi32, #tpu.memory_space<vmem>> -> memref<1x128xi32, #tpu.memory_space<vmem>>
      %dma_wait3A_320 = tpu.memref_squeeze %dma_wait3A_319 : memref<1x128xi32, #tpu.memory_space<vmem>> -> memref<128xi32, #tpu.memory_space<vmem>>
      %dma_wait3A_321 = arith.constant 0 : i32
      %dma_wait3A_322 = arith.constant 0 : i32
      %dma_wait3A_323 = tpu.memref_slice %arg10[%dma_wait3A_321, %dma_wait3A_322] : memref<12590x64xf32, #tpu.memory_space<vmem_shared>> -> memref<12590x64xf32, #tpu.memory_space<vmem_shared>>
      tpu.wait_indirect_dma semaphore(%arg25 : memref<!tpu.dma_semaphore, #tpu.memory_space<semaphore_mem>>) src(%dma_wait3A_317 : memref<128x64xf32, #tpu.memory_space<vmem>>) dst(%dma_wait3A_323 : memref<12590x64xf32, #tpu.memory_space<vmem_shared>>)
    } else {
    }
    %le3A_208 = arith.constant 0 : i32
    %le3A_209 = arith.constant 22 : i32
    %le3A_210 = arith.cmpi sle, %le3A_208, %le3A_209 : i32
    %and3A_211 = arith.constant false
    %and3A_212 = arith.andi %le3A_210, %and3A_211 : i1
    %convert_element_type3A_213 = arith.extui %and3A_212 : i1 to i32
    %cond3A_214 = arith.constant 0 : i32
    %cond3A_215 = arith.cmpi ne, %convert_element_type3A_213, %cond3A_214 : i32
    scf.if %cond3A_215 {
      %dma_start3A_312 = arith.constant 30 : i32
      %dma_start3A_313 = arith.constant 6 : i32
      %dma_start3A_314 = arith.constant 0 : i32
      %dma_start3A_315 = arith.constant 0 : i32
      %dma_start3A_316 = tpu.memref_slice %arg9[%dma_start3A_313, %dma_start3A_314, %dma_start3A_315] : memref<8x128x64xf32, #tpu.memory_space<vmem>> -> memref<1x128x64xf32, #tpu.memory_space<vmem>>
      %dma_start3A_317 = tpu.memref_squeeze %dma_start3A_316 : memref<1x128x64xf32, #tpu.memory_space<vmem>> -> memref<128x64xf32, #tpu.memory_space<vmem>>
      %dma_start3A_318 = arith.constant 0 : i32
      %dma_start3A_319 = tpu.memref_slice %arg7[%dma_start3A_312, %dma_start3A_318] : memref<28x128xi32, #tpu.memory_space<vmem>> -> memref<1x128xi32, #tpu.memory_space<vmem>>
      %dma_start3A_320 = tpu.memref_squeeze %dma_start3A_319 : memref<1x128xi32, #tpu.memory_space<vmem>> -> memref<128xi32, #tpu.memory_space<vmem>>
      %dma_start3A_321 = arith.constant 0 : i32
      %dma_start3A_322 = arith.constant 0 : i32
      %dma_start3A_323 = tpu.memref_slice %arg2[%dma_start3A_321, %dma_start3A_322] : memref<112640x64xf32, #tpu.memory_space<hbm>> -> memref<112640x64xf32, #tpu.memory_space<hbm>>
      tpu.enqueue_indirect_dma source(%dma_start3A_323 : memref<112640x64xf32, #tpu.memory_space<hbm>>) target(%dma_start3A_317 : memref<128x64xf32, #tpu.memory_space<vmem>>) offsets(%dma_start3A_320 : memref<128xi32, #tpu.memory_space<vmem>>) semaphore(%arg17 : memref<!tpu.dma_semaphore, #tpu.memory_space<semaphore_mem>>)
    } else {
    }
    %dma_wait3A_216 = arith.constant 27 : i32
    %dma_wait3A_217 = arith.constant 3 : i32
    %dma_wait3A_218 = arith.constant 0 : i32
    %dma_wait3A_219 = arith.constant 0 : i32
    %dma_wait3A_220 = tpu.memref_slice %arg9[%dma_wait3A_217, %dma_wait3A_218, %dma_wait3A_219] : memref<8x128x64xf32, #tpu.memory_space<vmem>> -> memref<1x128x64xf32, #tpu.memory_space<vmem>>
    %dma_wait3A_221 = tpu.memref_squeeze %dma_wait3A_220 : memref<1x128x64xf32, #tpu.memory_space<vmem>> -> memref<128x64xf32, #tpu.memory_space<vmem>>
    %dma_wait3A_222 = arith.constant 0 : i32
    %dma_wait3A_223 = tpu.memref_slice %arg7[%dma_wait3A_216, %dma_wait3A_222] : memref<28x128xi32, #tpu.memory_space<vmem>> -> memref<1x128xi32, #tpu.memory_space<vmem>>
    %dma_wait3A_224 = tpu.memref_squeeze %dma_wait3A_223 : memref<1x128xi32, #tpu.memory_space<vmem>> -> memref<128xi32, #tpu.memory_space<vmem>>
    %dma_wait3A_225 = arith.constant 0 : i32
    %dma_wait3A_226 = arith.constant 0 : i32
    %dma_wait3A_227 = tpu.memref_slice %arg2[%dma_wait3A_225, %dma_wait3A_226] : memref<112640x64xf32, #tpu.memory_space<hbm>> -> memref<112640x64xf32, #tpu.memory_space<hbm>>
    tpu.wait_indirect_dma semaphore(%arg14 : memref<!tpu.dma_semaphore, #tpu.memory_space<semaphore_mem>>) src(%dma_wait3A_227 : memref<112640x64xf32, #tpu.memory_space<hbm>>) dst(%dma_wait3A_221 : memref<128x64xf32, #tpu.memory_space<vmem>>)
    %dma_start3A_228 = arith.constant 3 : i32
    %dma_start3A_229 = arith.constant 27 : i32
    %dma_start3A_230 = arith.constant 0 : i32
    %dma_start3A_231 = arith.constant 0 : i32
    %dma_start3A_232 = tpu.memref_slice %arg9[%dma_start3A_228, %dma_start3A_230, %dma_start3A_231] : memref<8x128x64xf32, #tpu.memory_space<vmem>> -> memref<1x128x64xf32, #tpu.memory_space<vmem>>
    %dma_start3A_233 = tpu.memref_squeeze %dma_start3A_232 : memref<1x128x64xf32, #tpu.memory_space<vmem>> -> memref<128x64xf32, #tpu.memory_space<vmem>>
    %dma_start3A_234 = arith.constant 0 : i32
    %dma_start3A_235 = tpu.memref_slice %arg8[%dma_start3A_229, %dma_start3A_234] : memref<28x128xi32, #tpu.memory_space<vmem>> -> memref<1x128xi32, #tpu.memory_space<vmem>>
    %dma_start3A_236 = tpu.memref_squeeze %dma_start3A_235 : memref<1x128xi32, #tpu.memory_space<vmem>> -> memref<128xi32, #tpu.memory_space<vmem>>
    %dma_start3A_237 = arith.constant 0 : i32
    %dma_start3A_238 = arith.constant 0 : i32
    %dma_start3A_239 = tpu.memref_slice %arg10[%dma_start3A_237, %dma_start3A_238] : memref<12590x64xf32, #tpu.memory_space<vmem_shared>> -> memref<12590x64xf32, #tpu.memory_space<vmem_shared>>
    tpu.enqueue_indirect_dma source(%dma_start3A_233 : memref<128x64xf32, #tpu.memory_space<vmem>>) target(%dma_start3A_239 : memref<12590x64xf32, #tpu.memory_space<vmem_shared>>) offsets(%dma_start3A_236 : memref<128xi32, #tpu.memory_space<vmem>>) semaphore(%arg22 : memref<!tpu.dma_semaphore, #tpu.memory_space<semaphore_mem>>) {add = true}
    %le3A_240 = arith.constant 0 : i32
    %le3A_241 = arith.constant 23 : i32
    %le3A_242 = arith.cmpi sle, %le3A_240, %le3A_241 : i32
    %convert_element_type3A_243 = arith.extui %le3A_242 : i1 to i32
    %cond3A_244 = arith.constant 0 : i32
    %cond3A_245 = arith.cmpi ne, %convert_element_type3A_243, %cond3A_244 : i32
    scf.if %cond3A_245 {
      %dma_wait3A_312 = arith.constant 7 : i32
      %dma_wait3A_313 = arith.constant 23 : i32
      %dma_wait3A_314 = arith.constant 0 : i32
      %dma_wait3A_315 = arith.constant 0 : i32
      %dma_wait3A_316 = tpu.memref_slice %arg9[%dma_wait3A_312, %dma_wait3A_314, %dma_wait3A_315] : memref<8x128x64xf32, #tpu.memory_space<vmem>> -> memref<1x128x64xf32, #tpu.memory_space<vmem>>
      %dma_wait3A_317 = tpu.memref_squeeze %dma_wait3A_316 : memref<1x128x64xf32, #tpu.memory_space<vmem>> -> memref<128x64xf32, #tpu.memory_space<vmem>>
      %dma_wait3A_318 = arith.constant 0 : i32
      %dma_wait3A_319 = tpu.memref_slice %arg8[%dma_wait3A_313, %dma_wait3A_318] : memref<28x128xi32, #tpu.memory_space<vmem>> -> memref<1x128xi32, #tpu.memory_space<vmem>>
      %dma_wait3A_320 = tpu.memref_squeeze %dma_wait3A_319 : memref<1x128xi32, #tpu.memory_space<vmem>> -> memref<128xi32, #tpu.memory_space<vmem>>
      %dma_wait3A_321 = arith.constant 0 : i32
      %dma_wait3A_322 = arith.constant 0 : i32
      %dma_wait3A_323 = tpu.memref_slice %arg10[%dma_wait3A_321, %dma_wait3A_322] : memref<12590x64xf32, #tpu.memory_space<vmem_shared>> -> memref<12590x64xf32, #tpu.memory_space<vmem_shared>>
      tpu.wait_indirect_dma semaphore(%arg26 : memref<!tpu.dma_semaphore, #tpu.memory_space<semaphore_mem>>) src(%dma_wait3A_317 : memref<128x64xf32, #tpu.memory_space<vmem>>) dst(%dma_wait3A_323 : memref<12590x64xf32, #tpu.memory_space<vmem_shared>>)
    } else {
    }
    %le3A_246 = arith.constant 0 : i32
    %le3A_247 = arith.constant 23 : i32
    %le3A_248 = arith.cmpi sle, %le3A_246, %le3A_247 : i32
    %and3A_249 = arith.constant false
    %and3A_250 = arith.andi %le3A_248, %and3A_249 : i1
    %convert_element_type3A_251 = arith.extui %and3A_250 : i1 to i32
    %cond3A_252 = arith.constant 0 : i32
    %cond3A_253 = arith.cmpi ne, %convert_element_type3A_251, %cond3A_252 : i32
    scf.if %cond3A_253 {
      %dma_start3A_312 = arith.constant 31 : i32
      %dma_start3A_313 = arith.constant 7 : i32
      %dma_start3A_314 = arith.constant 0 : i32
      %dma_start3A_315 = arith.constant 0 : i32
      %dma_start3A_316 = tpu.memref_slice %arg9[%dma_start3A_313, %dma_start3A_314, %dma_start3A_315] : memref<8x128x64xf32, #tpu.memory_space<vmem>> -> memref<1x128x64xf32, #tpu.memory_space<vmem>>
      %dma_start3A_317 = tpu.memref_squeeze %dma_start3A_316 : memref<1x128x64xf32, #tpu.memory_space<vmem>> -> memref<128x64xf32, #tpu.memory_space<vmem>>
      %dma_start3A_318 = arith.constant 0 : i32
      %dma_start3A_319 = tpu.memref_slice %arg7[%dma_start3A_312, %dma_start3A_318] : memref<28x128xi32, #tpu.memory_space<vmem>> -> memref<1x128xi32, #tpu.memory_space<vmem>>
      %dma_start3A_320 = tpu.memref_squeeze %dma_start3A_319 : memref<1x128xi32, #tpu.memory_space<vmem>> -> memref<128xi32, #tpu.memory_space<vmem>>
      %dma_start3A_321 = arith.constant 0 : i32
      %dma_start3A_322 = arith.constant 0 : i32
      %dma_start3A_323 = tpu.memref_slice %arg2[%dma_start3A_321, %dma_start3A_322] : memref<112640x64xf32, #tpu.memory_space<hbm>> -> memref<112640x64xf32, #tpu.memory_space<hbm>>
      tpu.enqueue_indirect_dma source(%dma_start3A_323 : memref<112640x64xf32, #tpu.memory_space<hbm>>) target(%dma_start3A_317 : memref<128x64xf32, #tpu.memory_space<vmem>>) offsets(%dma_start3A_320 : memref<128xi32, #tpu.memory_space<vmem>>) semaphore(%arg18 : memref<!tpu.dma_semaphore, #tpu.memory_space<semaphore_mem>>)
    } else {
    }
    %dma_wait3A_254 = arith.constant 0 : i32
    %dma_wait3A_255 = arith.constant 24 : i32
    %dma_wait3A_256 = arith.constant 0 : i32
    %dma_wait3A_257 = arith.constant 0 : i32
    %dma_wait3A_258 = tpu.memref_slice %arg9[%dma_wait3A_254, %dma_wait3A_256, %dma_wait3A_257] : memref<8x128x64xf32, #tpu.memory_space<vmem>> -> memref<1x128x64xf32, #tpu.memory_space<vmem>>
    %dma_wait3A_259 = tpu.memref_squeeze %dma_wait3A_258 : memref<1x128x64xf32, #tpu.memory_space<vmem>> -> memref<128x64xf32, #tpu.memory_space<vmem>>
    %dma_wait3A_260 = arith.constant 0 : i32
    %dma_wait3A_261 = tpu.memref_slice %arg8[%dma_wait3A_255, %dma_wait3A_260] : memref<28x128xi32, #tpu.memory_space<vmem>> -> memref<1x128xi32, #tpu.memory_space<vmem>>
    %dma_wait3A_262 = tpu.memref_squeeze %dma_wait3A_261 : memref<1x128xi32, #tpu.memory_space<vmem>> -> memref<128xi32, #tpu.memory_space<vmem>>
    %dma_wait3A_263 = arith.constant 0 : i32
    %dma_wait3A_264 = arith.constant 0 : i32
    %dma_wait3A_265 = tpu.memref_slice %arg10[%dma_wait3A_263, %dma_wait3A_264] : memref<12590x64xf32, #tpu.memory_space<vmem_shared>> -> memref<12590x64xf32, #tpu.memory_space<vmem_shared>>
    tpu.wait_indirect_dma semaphore(%arg19 : memref<!tpu.dma_semaphore, #tpu.memory_space<semaphore_mem>>) src(%dma_wait3A_259 : memref<128x64xf32, #tpu.memory_space<vmem>>) dst(%dma_wait3A_265 : memref<12590x64xf32, #tpu.memory_space<vmem_shared>>)
    %dma_wait3A_266 = arith.constant 1 : i32
    %dma_wait3A_267 = arith.constant 25 : i32
    %dma_wait3A_268 = arith.constant 0 : i32
    %dma_wait3A_269 = arith.constant 0 : i32
    %dma_wait3A_270 = tpu.memref_slice %arg9[%dma_wait3A_266, %dma_wait3A_268, %dma_wait3A_269] : memref<8x128x64xf32, #tpu.memory_space<vmem>> -> memref<1x128x64xf32, #tpu.memory_space<vmem>>
    %dma_wait3A_271 = tpu.memref_squeeze %dma_wait3A_270 : memref<1x128x64xf32, #tpu.memory_space<vmem>> -> memref<128x64xf32, #tpu.memory_space<vmem>>
    %dma_wait3A_272 = arith.constant 0 : i32
    %dma_wait3A_273 = tpu.memref_slice %arg8[%dma_wait3A_267, %dma_wait3A_272] : memref<28x128xi32, #tpu.memory_space<vmem>> -> memref<1x128xi32, #tpu.memory_space<vmem>>
    %dma_wait3A_274 = tpu.memref_squeeze %dma_wait3A_273 : memref<1x128xi32, #tpu.memory_space<vmem>> -> memref<128xi32, #tpu.memory_space<vmem>>
    %dma_wait3A_275 = arith.constant 0 : i32
    %dma_wait3A_276 = arith.constant 0 : i32
    %dma_wait3A_277 = tpu.memref_slice %arg10[%dma_wait3A_275, %dma_wait3A_276] : memref<12590x64xf32, #tpu.memory_space<vmem_shared>> -> memref<12590x64xf32, #tpu.memory_space<vmem_shared>>
    tpu.wait_indirect_dma semaphore(%arg20 : memref<!tpu.dma_semaphore, #tpu.memory_space<semaphore_mem>>) src(%dma_wait3A_271 : memref<128x64xf32, #tpu.memory_space<vmem>>) dst(%dma_wait3A_277 : memref<12590x64xf32, #tpu.memory_space<vmem_shared>>)
    %dma_wait3A_278 = arith.constant 2 : i32
    %dma_wait3A_279 = arith.constant 26 : i32
    %dma_wait3A_280 = arith.constant 0 : i32
    %dma_wait3A_281 = arith.constant 0 : i32
    %dma_wait3A_282 = tpu.memref_slice %arg9[%dma_wait3A_278, %dma_wait3A_280, %dma_wait3A_281] : memref<8x128x64xf32, #tpu.memory_space<vmem>> -> memref<1x128x64xf32, #tpu.memory_space<vmem>>
    %dma_wait3A_283 = tpu.memref_squeeze %dma_wait3A_282 : memref<1x128x64xf32, #tpu.memory_space<vmem>> -> memref<128x64xf32, #tpu.memory_space<vmem>>
    %dma_wait3A_284 = arith.constant 0 : i32
    %dma_wait3A_285 = tpu.memref_slice %arg8[%dma_wait3A_279, %dma_wait3A_284] : memref<28x128xi32, #tpu.memory_space<vmem>> -> memref<1x128xi32, #tpu.memory_space<vmem>>
    %dma_wait3A_286 = tpu.memref_squeeze %dma_wait3A_285 : memref<1x128xi32, #tpu.memory_space<vmem>> -> memref<128xi32, #tpu.memory_space<vmem>>
    %dma_wait3A_287 = arith.constant 0 : i32
    %dma_wait3A_288 = arith.constant 0 : i32
    %dma_wait3A_289 = tpu.memref_slice %arg10[%dma_wait3A_287, %dma_wait3A_288] : memref<12590x64xf32, #tpu.memory_space<vmem_shared>> -> memref<12590x64xf32, #tpu.memory_space<vmem_shared>>
    tpu.wait_indirect_dma semaphore(%arg21 : memref<!tpu.dma_semaphore, #tpu.memory_space<semaphore_mem>>) src(%dma_wait3A_283 : memref<128x64xf32, #tpu.memory_space<vmem>>) dst(%dma_wait3A_289 : memref<12590x64xf32, #tpu.memory_space<vmem_shared>>)
    %dma_wait3A_290 = arith.constant 3 : i32
    %dma_wait3A_291 = arith.constant 27 : i32
    %dma_wait3A_292 = arith.constant 0 : i32
    %dma_wait3A_293 = arith.constant 0 : i32
    %dma_wait3A_294 = tpu.memref_slice %arg9[%dma_wait3A_290, %dma_wait3A_292, %dma_wait3A_293] : memref<8x128x64xf32, #tpu.memory_space<vmem>> -> memref<1x128x64xf32, #tpu.memory_space<vmem>>
    %dma_wait3A_295 = tpu.memref_squeeze %dma_wait3A_294 : memref<1x128x64xf32, #tpu.memory_space<vmem>> -> memref<128x64xf32, #tpu.memory_space<vmem>>
    %dma_wait3A_296 = arith.constant 0 : i32
    %dma_wait3A_297 = tpu.memref_slice %arg8[%dma_wait3A_291, %dma_wait3A_296] : memref<28x128xi32, #tpu.memory_space<vmem>> -> memref<1x128xi32, #tpu.memory_space<vmem>>
    %dma_wait3A_298 = tpu.memref_squeeze %dma_wait3A_297 : memref<1x128xi32, #tpu.memory_space<vmem>> -> memref<128xi32, #tpu.memory_space<vmem>>
    %dma_wait3A_299 = arith.constant 0 : i32
    %dma_wait3A_300 = arith.constant 0 : i32
    %dma_wait3A_301 = tpu.memref_slice %arg10[%dma_wait3A_299, %dma_wait3A_300] : memref<12590x64xf32, #tpu.memory_space<vmem_shared>> -> memref<12590x64xf32, #tpu.memory_space<vmem_shared>>
    tpu.wait_indirect_dma semaphore(%arg22 : memref<!tpu.dma_semaphore, #tpu.memory_space<semaphore_mem>>) src(%dma_wait3A_295 : memref<128x64xf32, #tpu.memory_space<vmem>>) dst(%dma_wait3A_301 : memref<12590x64xf32, #tpu.memory_space<vmem_shared>>)
    %barrier3A_302 = arith.constant 0 : index
    tpu.barrier barrier_id(%barrier3A_302)
    %eq3A = arith.constant 0 : i32
    %eq3A_303 = arith.cmpi eq, %arg0, %eq3A : i32
    %convert_element_type3A_304 = arith.extui %eq3A_303 : i1 to i32
    %cond3A_305 = arith.constant 0 : i32
    %cond3A_306 = arith.cmpi ne, %convert_element_type3A_304, %cond3A_305 : i32
    scf.if %cond3A_306 {
      %mul3A_312 = arith.constant 190 : i32
      %mul3A_313 = arith.muli %arg1, %mul3A_312 : i32
      %min3A_314 = arith.constant 2846 : i32
      %min3A_315 = arith.minsi %mul3A_313, %min3A_314 : i32
      "tpu.region"() ({
        %run_scoped3A = tpu.sem_alloc : memref<!tpu.dma_semaphore, #tpu.memory_space<semaphore_mem>>
        %dma_start3A_316 = arith.constant 0 : i32
        %dma_start3A_317 = tpu.memref_slice %arg6[%min3A_315, %dma_start3A_316] : memref<15625x64xf32, #tpu.memory_space<hbm>> -> memref<190x64xf32, #tpu.memory_space<hbm>>
        %dma_start3A_318 = arith.constant 0 : i32
        %dma_start3A_319 = tpu.memref_slice %arg10[%min3A_315, %dma_start3A_318] : memref<12590x64xf32, #tpu.memory_space<vmem_shared>> -> memref<190x64xf32, #tpu.memory_space<vmem_shared>>
        tpu.enqueue_dma source(%dma_start3A_319 : memref<190x64xf32, #tpu.memory_space<vmem_shared>>) target(%dma_start3A_317 : memref<190x64xf32, #tpu.memory_space<hbm>>) target_semaphore(%run_scoped3A : memref<!tpu.dma_semaphore, #tpu.memory_space<semaphore_mem>>)
        %dma_wait3A_320 = arith.constant 0 : i32
        %dma_wait3A_321 = tpu.memref_slice %arg6[%min3A_315, %dma_wait3A_320] : memref<15625x64xf32, #tpu.memory_space<hbm>> -> memref<190x64xf32, #tpu.memory_space<hbm>>
        %dma_wait3A_322 = arith.constant 0 : i32
        %dma_wait3A_323 = tpu.memref_slice %arg10[%min3A_315, %dma_wait3A_322] : memref<12590x64xf32, #tpu.memory_space<vmem_shared>> -> memref<190x64xf32, #tpu.memory_space<vmem_shared>>
        tpu.wait_dma2 semaphore(%run_scoped3A : memref<!tpu.dma_semaphore, #tpu.memory_space<semaphore_mem>>) src(%dma_wait3A_323 : memref<190x64xf32, #tpu.memory_space<vmem_shared>>) dst(%dma_wait3A_321 : memref<190x64xf32, #tpu.memory_space<hbm>>)
        tpu.yield
      }) : () -> ()
    } else {
    }
    %eq3A_307 = arith.constant 1 : i32
    %eq3A_308 = arith.cmpi eq, %arg0, %eq3A_307 : i32
    %convert_element_type3A_309 = arith.extui %eq3A_308 : i1 to i32
    %cond3A_310 = arith.constant 0 : i32
    %cond3A_311 = arith.cmpi ne, %convert_element_type3A_309, %cond3A_310 : i32
    scf.if %cond3A_311 {
      %mul3A_312 = arith.constant 787 : i32
      %mul3A_313 = arith.muli %arg1, %mul3A_312 : i32
      %min3A_314 = arith.constant 11802 : i32
      %min3A_315 = arith.minsi %mul3A_313, %min3A_314 : i32
      %add3A_316 = arith.constant 3036 : i32
      %add3A_317 = arith.addi %add3A_316, %min3A_315 : i32
      "tpu.region"() ({
        %run_scoped3A = tpu.sem_alloc : memref<!tpu.dma_semaphore, #tpu.memory_space<semaphore_mem>>
        %dma_start3A_318 = arith.constant 0 : i32
        %dma_start3A_319 = tpu.memref_slice %arg6[%add3A_317, %dma_start3A_318] : memref<15625x64xf32, #tpu.memory_space<hbm>> -> memref<787x64xf32, #tpu.memory_space<hbm>>
        %dma_start3A_320 = arith.constant 0 : i32
        %dma_start3A_321 = tpu.memref_slice %arg10[%min3A_315, %dma_start3A_320] : memref<12590x64xf32, #tpu.memory_space<vmem_shared>> -> memref<787x64xf32, #tpu.memory_space<vmem_shared>>
        tpu.enqueue_dma source(%dma_start3A_321 : memref<787x64xf32, #tpu.memory_space<vmem_shared>>) target(%dma_start3A_319 : memref<787x64xf32, #tpu.memory_space<hbm>>) target_semaphore(%run_scoped3A : memref<!tpu.dma_semaphore, #tpu.memory_space<semaphore_mem>>)
        %dma_wait3A_322 = arith.constant 0 : i32
        %dma_wait3A_323 = tpu.memref_slice %arg6[%add3A_317, %dma_wait3A_322] : memref<15625x64xf32, #tpu.memory_space<hbm>> -> memref<787x64xf32, #tpu.memory_space<hbm>>
        %dma_wait3A_324 = arith.constant 0 : i32
        %dma_wait3A_325 = tpu.memref_slice %arg10[%min3A_315, %dma_wait3A_324] : memref<12590x64xf32, #tpu.memory_space<vmem_shared>> -> memref<787x64xf32, #tpu.memory_space<vmem_shared>>
        tpu.wait_dma2 semaphore(%run_scoped3A : memref<!tpu.dma_semaphore, #tpu.memory_space<semaphore_mem>>) src(%dma_wait3A_325 : memref<787x64xf32, #tpu.memory_space<vmem_shared>>) dst(%dma_wait3A_323 : memref<787x64xf32, #tpu.memory_space<hbm>>)
        tpu.yield
      }) : () -> ()
    } else {
    }
    return
  }
}

module attributes {stable_mosaic.version = 14 : i64} {
  func.func @_tc_body(%arg0: i32, %arg1: i32, %arg2: memref<6x8x256xf32, #tpu.memory_space<vmem>>, %arg3: memref<6x256x64xf32, #tpu.memory_space<vmem>>, %arg4: memref<8x16384xf32, #tpu.memory_space<vmem>>) attributes {dimension_semantics = [#tpu.dimension_semantics<arbitrary>, #tpu.dimension_semantics<arbitrary>], iteration_bounds = array<i64: 11, 5>, scalar_prefetch = 0 : i64, scratch_operands = 0 : i64, tpu.core_type = #tpu.core_type<tc>, window_params = [{transform_indices = @transform_0, window_bounds = array<i64: 6, 8, 256>}, {transform_indices = @transform_1, window_bounds = array<i64: 6, 256, 64>}, {transform_indices = @transform_2, window_bounds = array<i64: 8, 16384>}]} {
    %get3A = arith.constant 0 : index
    %get3A_0 = arith.constant 0 : index
    %get3A_1 = arith.constant 0 : index
    %get3A_2 = vector.load %arg2[%get3A, %get3A_0, %get3A_1] : memref<6x8x256xf32, #tpu.memory_space<vmem>>, vector<6x8x256xf32>
    %get3A_3 = arith.constant 0 : index
    %get3A_4 = arith.constant 0 : index
    %get3A_5 = arith.constant 0 : index
    %get3A_6 = vector.load %arg3[%get3A_3, %get3A_4, %get3A_5] : memref<6x256x64xf32, #tpu.memory_space<vmem>>, vector<6x256x64xf32>
    %slice3A = vector.extract_strided_slice %get3A_2 {offsets = [0, 0, 0], sizes = [1, 8, 256], strides = [1, 1, 1]} : vector<6x8x256xf32> to vector<1x8x256xf32>
    %squeeze3A = vector.shape_cast %slice3A : vector<1x8x256xf32> to vector<8x256xf32>
    %broadcast_in_dim3A = vector.shape_cast %squeeze3A : vector<8x256xf32> to vector<8x256x1xf32>
    %slice3A_7 = vector.extract_strided_slice %get3A_6 {offsets = [0, 0, 0], sizes = [1, 256, 64], strides = [1, 1, 1]} : vector<6x256x64xf32> to vector<1x256x64xf32>
    %squeeze3A_8 = vector.shape_cast %slice3A_7 : vector<1x256x64xf32> to vector<256x64xf32>
    %broadcast_in_dim3A_9 = vector.shape_cast %squeeze3A_8 : vector<256x64xf32> to vector<1x256x64xf32>
    %mul3A = vector.broadcast %broadcast_in_dim3A : vector<8x256x1xf32> to vector<8x256x64xf32>
    %mul3A_10 = vector.broadcast %broadcast_in_dim3A_9 : vector<1x256x64xf32> to vector<8x256x64xf32>
    %mul3A_11 = arith.mulf %mul3A, %mul3A_10 : vector<8x256x64xf32>
    %slice3A_12 = vector.extract_strided_slice %get3A_2 {offsets = [1, 0, 0], sizes = [1, 8, 256], strides = [1, 1, 1]} : vector<6x8x256xf32> to vector<1x8x256xf32>
    %squeeze3A_13 = vector.shape_cast %slice3A_12 : vector<1x8x256xf32> to vector<8x256xf32>
    %broadcast_in_dim3A_14 = vector.shape_cast %squeeze3A_13 : vector<8x256xf32> to vector<8x256x1xf32>
    %slice3A_15 = vector.extract_strided_slice %get3A_6 {offsets = [1, 0, 0], sizes = [1, 256, 64], strides = [1, 1, 1]} : vector<6x256x64xf32> to vector<1x256x64xf32>
    %squeeze3A_16 = vector.shape_cast %slice3A_15 : vector<1x256x64xf32> to vector<256x64xf32>
    %broadcast_in_dim3A_17 = vector.shape_cast %squeeze3A_16 : vector<256x64xf32> to vector<1x256x64xf32>
    %mul3A_18 = vector.broadcast %broadcast_in_dim3A_14 : vector<8x256x1xf32> to vector<8x256x64xf32>
    %mul3A_19 = vector.broadcast %broadcast_in_dim3A_17 : vector<1x256x64xf32> to vector<8x256x64xf32>
    %mul3A_20 = arith.mulf %mul3A_18, %mul3A_19 : vector<8x256x64xf32>
    %add3A = arith.addf %mul3A_11, %mul3A_20 : vector<8x256x64xf32>
    %slice3A_21 = vector.extract_strided_slice %get3A_2 {offsets = [2, 0, 0], sizes = [1, 8, 256], strides = [1, 1, 1]} : vector<6x8x256xf32> to vector<1x8x256xf32>
    %squeeze3A_22 = vector.shape_cast %slice3A_21 : vector<1x8x256xf32> to vector<8x256xf32>
    %broadcast_in_dim3A_23 = vector.shape_cast %squeeze3A_22 : vector<8x256xf32> to vector<8x256x1xf32>
    %slice3A_24 = vector.extract_strided_slice %get3A_6 {offsets = [2, 0, 0], sizes = [1, 256, 64], strides = [1, 1, 1]} : vector<6x256x64xf32> to vector<1x256x64xf32>
    %squeeze3A_25 = vector.shape_cast %slice3A_24 : vector<1x256x64xf32> to vector<256x64xf32>
    %broadcast_in_dim3A_26 = vector.shape_cast %squeeze3A_25 : vector<256x64xf32> to vector<1x256x64xf32>
    %mul3A_27 = vector.broadcast %broadcast_in_dim3A_23 : vector<8x256x1xf32> to vector<8x256x64xf32>
    %mul3A_28 = vector.broadcast %broadcast_in_dim3A_26 : vector<1x256x64xf32> to vector<8x256x64xf32>
    %mul3A_29 = arith.mulf %mul3A_27, %mul3A_28 : vector<8x256x64xf32>
    %add3A_30 = arith.addf %add3A, %mul3A_29 : vector<8x256x64xf32>
    %slice3A_31 = vector.extract_strided_slice %get3A_2 {offsets = [3, 0, 0], sizes = [1, 8, 256], strides = [1, 1, 1]} : vector<6x8x256xf32> to vector<1x8x256xf32>
    %squeeze3A_32 = vector.shape_cast %slice3A_31 : vector<1x8x256xf32> to vector<8x256xf32>
    %broadcast_in_dim3A_33 = vector.shape_cast %squeeze3A_32 : vector<8x256xf32> to vector<8x256x1xf32>
    %slice3A_34 = vector.extract_strided_slice %get3A_6 {offsets = [3, 0, 0], sizes = [1, 256, 64], strides = [1, 1, 1]} : vector<6x256x64xf32> to vector<1x256x64xf32>
    %squeeze3A_35 = vector.shape_cast %slice3A_34 : vector<1x256x64xf32> to vector<256x64xf32>
    %broadcast_in_dim3A_36 = vector.shape_cast %squeeze3A_35 : vector<256x64xf32> to vector<1x256x64xf32>
    %mul3A_37 = vector.broadcast %broadcast_in_dim3A_33 : vector<8x256x1xf32> to vector<8x256x64xf32>
    %mul3A_38 = vector.broadcast %broadcast_in_dim3A_36 : vector<1x256x64xf32> to vector<8x256x64xf32>
    %mul3A_39 = arith.mulf %mul3A_37, %mul3A_38 : vector<8x256x64xf32>
    %add3A_40 = arith.addf %add3A_30, %mul3A_39 : vector<8x256x64xf32>
    %slice3A_41 = vector.extract_strided_slice %get3A_2 {offsets = [4, 0, 0], sizes = [1, 8, 256], strides = [1, 1, 1]} : vector<6x8x256xf32> to vector<1x8x256xf32>
    %squeeze3A_42 = vector.shape_cast %slice3A_41 : vector<1x8x256xf32> to vector<8x256xf32>
    %broadcast_in_dim3A_43 = vector.shape_cast %squeeze3A_42 : vector<8x256xf32> to vector<8x256x1xf32>
    %slice3A_44 = vector.extract_strided_slice %get3A_6 {offsets = [4, 0, 0], sizes = [1, 256, 64], strides = [1, 1, 1]} : vector<6x256x64xf32> to vector<1x256x64xf32>
    %squeeze3A_45 = vector.shape_cast %slice3A_44 : vector<1x256x64xf32> to vector<256x64xf32>
    %broadcast_in_dim3A_46 = vector.shape_cast %squeeze3A_45 : vector<256x64xf32> to vector<1x256x64xf32>
    %mul3A_47 = vector.broadcast %broadcast_in_dim3A_43 : vector<8x256x1xf32> to vector<8x256x64xf32>
    %mul3A_48 = vector.broadcast %broadcast_in_dim3A_46 : vector<1x256x64xf32> to vector<8x256x64xf32>
    %mul3A_49 = arith.mulf %mul3A_47, %mul3A_48 : vector<8x256x64xf32>
    %add3A_50 = arith.addf %add3A_40, %mul3A_49 : vector<8x256x64xf32>
    %slice3A_51 = vector.extract_strided_slice %get3A_2 {offsets = [5, 0, 0], sizes = [1, 8, 256], strides = [1, 1, 1]} : vector<6x8x256xf32> to vector<1x8x256xf32>
    %squeeze3A_52 = vector.shape_cast %slice3A_51 : vector<1x8x256xf32> to vector<8x256xf32>
    %broadcast_in_dim3A_53 = vector.shape_cast %squeeze3A_52 : vector<8x256xf32> to vector<8x256x1xf32>
    %slice3A_54 = vector.extract_strided_slice %get3A_6 {offsets = [5, 0, 0], sizes = [1, 256, 64], strides = [1, 1, 1]} : vector<6x256x64xf32> to vector<1x256x64xf32>
    %squeeze3A_55 = vector.shape_cast %slice3A_54 : vector<1x256x64xf32> to vector<256x64xf32>
    %broadcast_in_dim3A_56 = vector.shape_cast %squeeze3A_55 : vector<256x64xf32> to vector<1x256x64xf32>
    %mul3A_57 = vector.broadcast %broadcast_in_dim3A_53 : vector<8x256x1xf32> to vector<8x256x64xf32>
    %mul3A_58 = vector.broadcast %broadcast_in_dim3A_56 : vector<1x256x64xf32> to vector<8x256x64xf32>
    %mul3A_59 = arith.mulf %mul3A_57, %mul3A_58 : vector<8x256x64xf32>
    %add3A_60 = arith.addf %add3A_50, %mul3A_59 : vector<8x256x64xf32>
    %reshape3A = vector.shape_cast %add3A_60 : vector<8x256x64xf32> to vector<8x16384xf32>
    %swap3A = arith.constant 0 : index
    %swap3A_61 = arith.constant 0 : index
    %swap3A_62 = vector.load %arg4[%swap3A, %swap3A_61] : memref<8x16384xf32, #tpu.memory_space<vmem>>, vector<8x16384xf32>
    tpu.vector_store %arg4[%swap3A, %swap3A_61], %reshape3A {strides = array<i32>} : memref<8x16384xf32, #tpu.memory_space<vmem>>, vector<8x16384xf32>,
    return
  }
  func.func @transform_0(%arg0: i32, %arg1: i32) -> (i32, i32, i32) {
    %c0_i32 = arith.constant 0 : i32
    %c0_i32_0 = arith.constant 0 : i32
    return %c0_i32, %arg1, %arg0 : i32, i32, i32
  }
  func.func @transform_1(%arg0: i32, %arg1: i32) -> (i32, i32, i32) {
    %c0_i32 = arith.constant 0 : i32
    %c0_i32_0 = arith.constant 0 : i32
    %c0_i32_1 = arith.constant 0 : i32
    return %c0_i32, %arg0, %c0_i32_0 : i32, i32, i32
  }
  func.func @transform_2(%arg0: i32, %arg1: i32) -> (i32, i32) {
    %c0_i32 = arith.constant 0 : i32
    return %arg1, %arg0 : i32, i32
  }
}

module attributes {stable_mosaic.version = 14 : i64} {
  func.func @_sm_body(%arg0: i32, %arg1: memref<6x40x1408xf32, #tpu.memory_space<vmem>>, %arg2: memref<6x40x1408xf32, #tpu.memory_space<vmem>>) attributes {dimension_semantics = [#tpu.dimension_semantics<arbitrary>], iteration_bounds = array<i64: 2>, scalar_prefetch = 0 : i64, scratch_operands = 0 : i64, tpu.core_type = #tpu.core_type<tc>, window_params = [{transform_indices = @transform_0, window_bounds = array<i64: 6, 40, 1408>}, {transform_indices = @transform_1, window_bounds = array<i64: 6, 40, 1408>}]} {
    %get3A = arith.constant 0 : index
    %get3A_0 = arith.constant 0 : index
    %get3A_1 = arith.constant 0 : index
    %get3A_2 = vector.load %arg1[%get3A, %get3A_0, %get3A_1] : memref<6x40x1408xf32, #tpu.memory_space<vmem>>, vector<6x40x1408xf32>
    %reduce_max3A = arith.constant dense<0xFF800000> : vector<6x1408xf32>
    %reduce_max3A_3 = vector.multi_reduction <maximumf>, %get3A_2, %reduce_max3A [1] : vector<6x40x1408xf32> to vector<6x1408xf32>
    %broadcast_in_dim3A = vector.shape_cast %reduce_max3A_3 : vector<6x1408xf32> to vector<6x1x1408xf32>
    %sub3A = vector.broadcast %broadcast_in_dim3A : vector<6x1x1408xf32> to vector<6x40x1408xf32>
    %sub3A_4 = arith.subf %get3A_2, %sub3A : vector<6x40x1408xf32>
    %exp3A = math.exp %sub3A_4 : vector<6x40x1408xf32>
    %reduce_sum3A = arith.constant dense<0.000000e+00> : vector<6x1408xf32>
    %reduce_sum3A_5 = vector.multi_reduction <add>, %exp3A, %reduce_sum3A [1] : vector<6x40x1408xf32> to vector<6x1408xf32>
    %broadcast_in_dim3A_6 = vector.shape_cast %reduce_sum3A_5 : vector<6x1408xf32> to vector<6x1x1408xf32>
    %div3A = vector.broadcast %broadcast_in_dim3A_6 : vector<6x1x1408xf32> to vector<6x40x1408xf32>
    %div3A_7 = arith.divf %exp3A, %div3A : vector<6x40x1408xf32>
    %swap3A = arith.constant 0 : index
    %swap3A_8 = arith.constant 0 : index
    %swap3A_9 = arith.constant 0 : index
    %swap3A_10 = vector.load %arg2[%swap3A, %swap3A_8, %swap3A_9] : memref<6x40x1408xf32, #tpu.memory_space<vmem>>, vector<6x40x1408xf32>
    tpu.vector_store %arg2[%swap3A, %swap3A_8, %swap3A_9], %div3A_7 {strides = array<i32>} : memref<6x40x1408xf32, #tpu.memory_space<vmem>>, vector<6x40x1408xf32>,
    return
  }
  func.func @transform_0(%arg0: i32) -> (i32, i32, i32) {
    %c0_i32 = arith.constant 0 : i32
    %c0_i32_0 = arith.constant 0 : i32
    %c0_i32_1 = arith.constant 0 : i32
    return %c0_i32, %c0_i32_0, %arg0 : i32, i32, i32
  }
  func.func @transform_1(%arg0: i32) -> (i32, i32, i32) {
    %c0_i32 = arith.constant 0 : i32
    %c0_i32_0 = arith.constant 0 : i32
    %c0_i32_1 = arith.constant 0 : i32
    return %c0_i32, %c0_i32_0, %arg0 : i32, i32, i32
  }
}

</mosaic_0001>

<sc_bundles>
// kernel: kernel.5.cloned.1.call-start
scs
__scs_entry_jumppad:
0x0: {  	(pc) =	sbr.rel $0x88, $3  }
0x1: {  	(tag) =	ssettag $0x0;
	lr =	simm.s32 $0x1  }
0x2: {  	[smem:$0x3F9F] =	sst lr;
	_ =	strace $0xD0000000  }
0x3: {  	_ = 	snop  }
0x4: {  	_ = 	snop  }
0x5: {  	_ = 	snop  }
0x6: {  	_ = 	snop  }
0x7: {  	_ = 	snop  }
__scs_overlays_trampoline_lowered:
0x8: {  	[smem:$0x3FAE] =	sst s0  }
0x9: {  	[smem:$0x3FAF] =	sst s1  }
0xa: {  	[smem:$0x3FB0] =	sst s2  }
0xb: {  	[smem:$0x3FB1] =	sst s3  }
0xc: {  	[smem:$0x3FB2] =	sst s4  }
0xd: {  	[smem:$0x3FB3] =	sst s5  }
0xe: {  	[smem:$0x3FB4] =	sst s6  }
0xf: {  	[smem:$0x3FB5] =	sst s7  }
0x10: {  	[smem:$0x3FB6] =	sst s8  }
0x11: {  	[smem:$0x3FB7] =	sst s9;
	s0 =	simm.s32 @!p0 $0x0  }
0x12: {  	s1 =	sld [smem:$0x3F9D];
	s0 =	simm.s32 @p0 $0x1  }
0x13: {  	[smem:$0x3FB8] =	sst s0;
	s0 =	simm.s32 @!p1 $0x0  }
0x14: {  	s2 =	sld [smem:$0x3F9C];
	s0 =	simm.s32 @p1 $0x1  }
0x15: {  	[smem:$0x3FB9] =	sst s0;
	s0 =	simm.s32 @!p2 $0x0  }
0x16: {  	s3 =	sld [smem:$0x3FDB];
	s0 =	simm.s32 @p2 $0x1  }
0x17: {  	s4 =	simm.s32 $0x1BF5;
	[smem:$0x3FBB] =	sst s0  }
0x18: {  	s0 =	sld [smem:$0x3F9E];
	_ =	swait.ge [sflag:s4], $0x0  }
0x19: {  	s7 =	sld [smem:$0x3F9F]  }
0x1a: {  	s8 =	sadd.s32 $0xFFFFE003, lr  }
0x1b: {  	s9 =	sadd.s32 $0xFFFFFEF7, lr;
	s5 =	simm.s32 $0xFFFFFFFF;
	p2 =	slt.u32 s8, $0xFFFFF086  }
0x1c: {  	p1 =	slt.u32 s9, $0xF7A;
	s5 =	simm.s32 @!p2 $0x0  }
0x1d: {  	s5 =	simm.s32 @p1 $0x1;
	p0 =	seq.s32 s7, s2  }
0x1e: {  	s7 =	smul.u32 @!p0 $0xF7A, s2;
	p2 =	seq.s32 @!p0 s5, $0x0  }
0x1f: {  	s9 =	smul.u32 $0xF7A, s1;
	s8 =	simm.s32 @!p0 $0x1BF5;
	p2 =	por !p2, p0  }
0x20: {  	[sflag:s8] =	ssyncset.s32 @!p0 $0xFFFFF086;
	s6 =	sadd.s32 @!p0 s3, s7;
	s7 =	simm.s32 @!p0 $0x108  }
0x21: {  	s3 =	sadd.s32 s3, s9;
	s6 =	sadd.s32 @!p0 $0x88, s6;
	s7 =	simm.s32 @p2 $0x1082  }
0x22: {  	[simem:s7], [sflag:s8] =	dma.local @!p0 [hbm:s6], $0xF7A  }
0x23: {  	s9 =	sor.u32 $0xD0000000, s2;
	s6 =	simm.s32 $0x108;
	_ =	swait.ge @!p0 [sflag:s8], $0x0  }
0x24: {  	s3 =	sadd.s32 $0x88, s3;
	s6 =	simm.s32 @!p1 $0x1082;
	[sflag:s4] =	ssyncset.s32 $0xFFFFF086  }
0x25: {  	[simem:s6], [sflag:s4] =	dma.local [hbm:s3], $0xF7A  }
0x26: {  	[smem:$0x3F9F] =	sst s1;
	(tag) =	ssettag s2;
	_ =	strace s9  }
0x27: {  	s1 =	sld [smem:$0x3FAF]  }
0x28: {  	s2 =	sld [smem:$0x3FB0]  }
0x29: {  	s4 =	sld [smem:$0x3FB2]  }
0x2a: {  	p0 =	seq.s32 s5, $0x0;
	s5 =	sld [smem:$0x3FB3]  }
0x2b: {  	s6 =	sld [smem:$0x3FB4]  }
0x2c: {  	s7 =	sld [smem:$0x3FB5]  }
0x2d: {  	s3 =	simm.s32 $0x108;
	s8 =	sld [smem:$0x3FB6]  }
0x2e: {  	s3 =	simm.s32 @!p0 $0x1082;
	s9 =	sld [smem:$0x3FB7]  }
0x2f: {  	lr =	sadd.s32 s0, s3;
	s0 =	sld [smem:$0x3FAE]  }
0x30: {  	s3 =	sld [smem:$0x3FB1]  }
0x31: {  	[smem:$0x3FBA] =	sst s10  }
0x32: {  	s10 =	sld [smem:$0x3FB8];
	_ =	sdelay $0x3  }
0x33: {  	p0 =	seq.s32 s10, $0x1;
	s10 =	sld [smem:$0x3FBA];
	_ =	sdelay $0x3  }
0x34: {  	[smem:$0x3FBA] =	sst s10  }
0x35: {  	s10 =	sld [smem:$0x3FB9];
	_ =	sdelay $0x3  }
0x36: {  	p1 =	seq.s32 s10, $0x1;
	s10 =	sld [smem:$0x3FBA];
	_ =	sdelay $0x3  }
0x37: {  	[smem:$0x3FBA] =	sst s10  }
0x38: {  	s10 =	sld [smem:$0x3FBB]  }
0x39: {  	_ = 	snop;
	(pc) =	sbr.ind lr, $3  }
0x3a: {  	_ = 	snop  }
0x3b: {  	_ = 	snop  }
0x3c: {  	p2 =	seq.s32 s10, $0x1;
	s10 =	sld [smem:$0x3FBA]  }
0x3d: {  	_ =	shalt  }
0x3e: {  	_ =	shalt  }
0x3f: {  	_ =	shalt  }
0x40: {  	_ =	shalt  }
0x41: {  	_ =	shalt  }
0x42: {  	_ =	shalt  }
0x43: {  	_ =	shalt  }
0x44: {  	_ =	shalt  }
0x45: {  	_ =	shalt  }
0x46: {  	_ =	shalt  }
0x47: {  	_ =	shalt  }
0x48: {  	_ =	shalt  }
0x49: {  	_ =	shalt  }
0x4a: {  	_ =	shalt  }
0x4b: {  	_ =	shalt  }
0x4c: {  	_ =	shalt  }
0x4d: {  	_ =	shalt  }
0x4e: {  	_ =	shalt  }
0x4f: {  	_ =	shalt  }
0x50: {  	_ =	shalt  }
0x51: {  	_ =	shalt  }
0x52: {  	_ =	shalt  }
0x53: {  	_ =	shalt  }
0x54: {  	_ =	shalt  }
0x55: {  	_ =	shalt  }
0x56: {  	_ =	shalt  }
0x57: {  	_ =	shalt  }
0x58: {  	_ =	shalt  }
0x59: {  	_ =	shalt  }
0x5a: {  	_ =	shalt  }
0x5b: {  	_ =	shalt  }
0x5c: {  	_ =	shalt  }
0x5d: {  	_ =	shalt  }
0x5e: {  	_ =	shalt  }
0x5f: {  	_ =	shalt  }
0x60: {  	_ =	shalt  }
0x61: {  	_ =	shalt  }
0x62: {  	_ =	shalt  }
0x63: {  	_ =	shalt  }
0x64: {  	_ =	shalt  }
0x65: {  	_ =	shalt  }
0x66: {  	_ =	shalt  }
0x67: {  	_ =	shalt  }
0x68: {  	_ =	shalt  }
0x69: {  	_ =	shalt  }
0x6a: {  	_ =	shalt  }
0x6b: {  	_ =	shalt  }
0x6c: {  	_ =	shalt  }
0x6d: {  	_ =	shalt  }
0x6e: {  	_ =	shalt  }
0x6f: {  	_ =	shalt  }
0x70: {  	_ =	shalt  }
0x71: {  	_ =	shalt  }
0x72: {  	_ =	shalt  }
0x73: {  	_ =	shalt  }
0x74: {  	_ =	shalt  }
0x75: {  	_ =	shalt  }
0x76: {  	_ =	shalt  }
0x77: {  	_ =	shalt  }
0x78: {  	_ =	shalt  }
0x79: {  	_ =	shalt  }
0x7a: {  	_ =	shalt  }
0x7b: {  	_ =	shalt  }
0x7c: {  	_ =	shalt  }
0x7d: {  	_ =	shalt  }
0x7e: {  	_ =	shalt  }
0x7f: {  	_ =	shalt  }
0x80: {  	_ =	shalt  }
0x81: {  	_ =	shalt  }
0x82: {  	_ =	shalt  }
0x83: {  	_ =	shalt  }
0x84: {  	_ =	shalt  }
0x85: {  	_ =	shalt  }
0x86: {  	_ =	shalt  }
0x87: {  	_ =	shalt  }
.Lfunc_end0:
.L_simem_size_0:
called_computation_lowered:
.L_overlay_start_0:
0x88: {  	s2 =	sld [smem:$0x3FD9]  }
0x89: {  	s3 =	sld [smem:$0x3FFE];
	_ =	sdelay $0x1  }
0x8a: {  	s1 =	srdreg.scid  }
0x8b: {  	s0 =	sand.u32 $0x1, s1  }
0x8c: {  	s17 =	sshll.u32 s0, $0xA;
	s2 =	sadd.s32 s3, s2  }
0x8d: {  	s2 =	sadd.s32 s2, s17  }
0x8e: {  	[smem:$0x3FC6] =	sst s2  }
0x8f: {  	_ = 	snop  }
0x90: {  	s2 =	sld [smem:$0x3FD0];
	(tm) =	ssettm $0x1  }
0x91: {  	s18 =	sld [smem:$0x3FFB];
	_ =	sdelay $0x3  }
0x92: {  	_ =	strace s18  }
0x93: {  	s3 =	sld [smem:$0x3FFC];
	_ =	sdelay $0x3  }
0x94: {  	_ =	strace s3  }
0x95: {  	s3 =	sld [smem:$0x3FFD];
	_ =	sdelay $0x3  }
0x96: {  	_ =	strace s3  }
0x97: {  	_ =	strace $0x8FFFFFFF  }
0x98: {  	s19 =	sld [smem:$0x3FDB];
	_ =	sdelay $0x1  }
0x99: {  	s4 =	simm.s32 $_scs_section_size  }
0x9a: {  	s5 =	simm.s32 $_size__tile_overlayer_lowered;
	s6 =	simm.s32 $_tile_overlayer_lowered  }
0x9b: {  	s22 =	simm.s32 $0x1BFF;
	s21 =	sshll.u32 s6, $0x1;
	s3 =	sadd.s32 s4, s19  }
0x9c: {  	s7 =	simm.s32 $0x0;
	s20 =	sshll.u32 s5, $0x1;
	s5 =	sadd.s32 s21, s3  }
0x9d: {  	[timem:s7], [sflag:s22] =	dma.local [hbm:s5], s20  }
0x9e: {  	_ =	swait.ge [sflag:s22], s20  }
0x9f: {  	s4 =	ssub.s32 $0x0, s20;
	[sflag:s22] =	ssyncset.done $0x0  }
0xa0: {  	[sflag:s22] =	ssyncadd.s32 s4;
	_ =	sdelay $0x1  }
0xa1: {  	s23 =	simm.s32 $0x1B8B  }
0xa2: {  	_ =	swait.ge [sflag:s23], $0x1  }
0xa3: {  	[sflag:s23] =	ssyncset.done $0x0  }
0xa4: {  	s25 =	simm.s32 $0x1B8E;
	s24 =	sld [smem:$0x3FFE];
	[sflag:s23] =	ssyncadd.s32 $0xFFFFFFFF  }
0xa5: {  	s26 =	simm.s32 $execute0_lowered;
	[smem:$0x3FD2] =	sst s25  }
0xa6: {  	s5 =	sshll.u32 s26, $0x1;
	_ =	strace $0x80000046;
	[dreg:$0x1] =	wrdreg $0xFFFFFFFF  }
0xa7: {  	s28 =	simm.s32 $_size_execute0_lowered;
	s3 =	sadd.s32 s3, s5;
	[dreg:$0x0] =	wrdreg $0x0  }
0xa8: {  	s5 =	sshll.u32 s28, $0x1;
	[dreg:$0x2] =	wrdreg s3  }
0xa9: {  	[dreg:$0x3] =	wrdreg s5  }
0xaa: {  	[dreg:$0x4] =	wrdreg $0xC0  }
0xab: {  	_ =	task [dreg:s7], $0x5FFFF  }
0xac: {  	[dreg:$0x1] =	wrdreg $0xFFFFFFFF  }
0xad: {  	[dreg:$0x0] =	wrdreg $0x60  }
0xae: {  	[dreg:$0x2] =	wrdreg s24  }
0xaf: {  	[dreg:$0x3] =	wrdreg s2  }
0xb0: {  	[dreg:$0x4] =	wrdreg $0x11C000  }
0xb1: {  	[dreg:$0x5] =	wrdreg $0x9  }
0xb2: {  	_ =	task.clear_ibuf [dreg:s7], $0x6FFFF;
	_ =	strace $0x90000046  }
0xb3: {  	s29 =	simm.s32 $0x9;
	_ =	strace $0x80000048  }
0xb4: {  	_ =	swait.ge [sflag:s29], $0x1  }
0xb5: {  	[sflag:s29] =	ssyncadd.s32 $0xFFFFFFFF  }
0xb6: {  	_ =	strace $0x90000048  }
0xb7: {  	_ =	sfence  }
0xb8: {  	s30 =	sld [smem:$0x0];
	_ =	sdelay $0x2  }
0xb9: {  	s31 =	sshll.u32 s1, $0xD;
	s1 =	sshrl.u32 s1, $0x2  }
0xba: {  	s3 =	sand.u32 $0x4000, s31;
	s1 =	sadd.s32 s1, s30  }
0xbb: {  	s0 =	sor.u32 s3, s0;
	s1 =	sshll.u32 s1, $0x11  }
0xbc: {  	s0 =	sor.u32 s1, s0  }
0xbd: {  	s0 =	sadd.s32 $0x8F2B, s0  }
0xbe: {  	[sflag:s0] =	ssyncadd.remote.s32 $0x1  }
0xbf: {  	_ =	sfence.sel $0xFFFF  }
0xc0: {  	[dreg:$0x0] =	wrdreg $0xFFFFFFFF;
	(pc) =	sbr.abs _section_cstart, $3  }
0xc1: {  	[dreg:$0x1] =	wrdreg $0xFFFFFFFF  }
0xc2: {  	_ =	task.clear_ibuf [dreg:s7], $0x2FFFF;
	_ =	strace $0x9FFFFFFF  }
0xc3: {  	(tm) =	ssettm $0x7FFFFFFF  }
tec
execute0_lowered:
.L_overlay_start_1:
0x0: {  	(tag) =	ssettag $0x1  }
0x1: {  	s0 =	rddreg [dreg:$0x0]  }
0x2: {  	s5 =	rddreg [dreg:$0x1]  }
0x3: {  	s2 =	rddreg [dreg:$0x2];
	s10 =	simm.s32 $0x0  }
0x4: {  	[smem:$0x7FF] =	sst s10;
	s23 =	sadd.s32 $0xA00, s0  }
0x5: {  	s26 =	simm.s32 $0x100;
	_ =	strace $0x80000047;
	[dreg:$0x4] =	wrdreg s23  }
0x6: {  	s11 =	simm.s32 $0x300;
	[dreg:$0x9] =	wrdreg s26  }
0x7: {  	s13 =	simm.s32 $0x380;
	[dreg:$0xd] =	wrdreg s11  }
0x8: {  	s15 =	simm.s32 $0xE80;
	[dreg:$0xe] =	wrdreg s13  }
0x9: {  	s16 =	simm.s32 $0xF00;
	[dreg:$0x10] =	wrdreg s15  }
0xa: {  	s17 =	simm.s32 $0xF80;
	[dreg:$0x11] =	wrdreg s16  }
0xb: {  	s18 =	simm.s32 $0x1000;
	[dreg:$0x12] =	wrdreg s17  }
0xc: {  	s19 =	simm.s32 $0x400;
	[dreg:$0x13] =	wrdreg s18  }
0xd: {  	s20 =	simm.s32 $0x1080;
	[dreg:$0x14] =	wrdreg s19  }
0xe: {  	s21 =	simm.s32 $0x480;
	[dreg:$0x15] =	wrdreg s20  }
0xf: {  	s22 =	simm.s32 $0x1100;
	[dreg:$0x16] =	wrdreg s21  }
0x10: {  	[dreg:$0x17] =	wrdreg s22;
	s23 =	simm.s32 $0x500  }
0x11: {  	s26 =	simm.s32 $0x1200;
	[dreg:$0x18] =	wrdreg s23  }
0x12: {  	s11 =	simm.s32 $0x700;
	[dreg:$0x1b] =	wrdreg s26  }
0x13: {  	s13 =	simm.s32 $0x1380;
	[smem:$0x7DD] =	sst s11  }
0x14: {  	s15 =	simm.s32 $0x1400;
	[smem:$0x7DE] =	sst s13  }
0x15: {  	s16 =	simm.s32 $0x800;
	[smem:$0x7E0] =	sst s15  }
0x16: {  	s17 =	simm.s32 $0x1480;
	[smem:$0x7E1] =	sst s16  }
0x17: {  	s18 =	simm.s32 $0x880;
	[smem:$0x7E2] =	sst s17  }
0x18: {  	s19 =	simm.s32 $0x1500;
	[smem:$0x7E3] =	sst s18  }
0x19: {  	s20 =	simm.s32 $0x900;
	[smem:$0x7E4] =	sst s19  }
0x1a: {  	s21 =	simm.s32 $0x1580;
	[smem:$0x7E5] =	sst s20  }
0x1b: {  	s22 =	simm.s32 $0x980;
	[smem:$0x7E6] =	sst s21  }
0x1c: {  	[smem:$0x7E7] =	sst s22;
	s23 =	simm.s32 $0x1600  }
0x1d: {  	s26 =	simm.s32 $0xA80;
	[smem:$0x7E8] =	sst s23  }
0x1e: {  	s11 =	simm.s32 $0x1800;
	[smem:$0x7EB] =	sst s26  }
0x1f: {  	s13 =	simm.s32 $0xC00;
	[smem:$0x7F0] =	sst s11  }
0x20: {  	s1 =	srdreg.scid;
	s15 =	simm.s32 $0xC80;
	[smem:$0x7F1] =	sst s13  }
0x21: {  	s12 =	stileid.u32;
	s16 =	simm.s32 $0x1900;
	[smem:$0x7F3] =	sst s15  }
0x22: {  	s3 =	sand.u32 $0x1, s1;
	s17 =	simm.s32 $0xD00;
	[smem:$0x7F4] =	sst s16  }
0x23: {  	s6 =	smul.u32 $0x313, s12;
	s18 =	simm.s32 $0x1980;
	[smem:$0x7F5] =	sst s17  }
0x24: {  	s1 =	sshll.u32 s3, $0x4;
	s19 =	simm.s32 $0xD80;
	[smem:$0x7F6] =	sst s18  }
0x25: {  	s1 =	sor.u32 s12, s1;
	s20 =	simm.s32 $0x1A00;
	[smem:$0x7F7] =	sst s19  }
0x26: {  	s21 =	simm.s32 $0x1A80;
	s1 =	smul.u32 $0x1C0, s1;
	[smem:$0x7F8] =	sst s20  }
0x27: {  	s4 =	smul.u32 $0xBE, s12;
	s22 =	simm.s32 $0x1B00;
	[smem:$0x7F9] =	sst s21  }
0x28: {  	[smem:$0x7FA] =	sst s22;
	s23 =	simm.s32 $0x1B80;
	s7 =	sadd.s32 s1, s0  }
0x29: {  	[smem:$0x7FB] =	sst s23;
	s1 =	smin.u32 s4, $0xB1E;
	s24 =	sadd.s32 $0x5C00, s7  }
0x2a: {  	s7 =	sadd.s32 $0x2400, s7;
	s8 =	sshll.u32 s1, $0x3;
	[dreg:$0x5] =	wrdreg s24  }
0x2b: {  	s4 =	smin.u32 s6, $0x2E1A;
	[dreg:$0x6] =	wrdreg s7;
	s25 =	sadd.s32 s5, s8  }
0x2c: {  	s6 =	smin.u32 s6, $0x2E1B;
	s7 =	simm.s32 $0x180;
	[dreg:$0x7] =	wrdreg s25  }
0x2d: {  	s9 =	sshll.u32 s4, $0x3;
	s8 =	simm.s32 $0x200;
	[dreg:$0xa] =	wrdreg s7  }
0x2e: {  	s5 =	sadd.s32 s9, s5;
	s9 =	simm.s32 $0x280;
	[dreg:$0xb] =	wrdreg s8  }
0x2f: {  	s6 =	sshll.u32 s6, $0x6;
	s24 =	simm.s32 $0x1180;
	[dreg:$0xc] =	wrdreg s9  }
0x30: {  	s6 =	sadd.s32 s6, s2;
	s5 =	sadd.s32 $0x5EE0, s5;
	[dreg:$0x19] =	wrdreg s24  }
0x31: {  	s14 =	sshrl.u32 s6, $0x3;
	[dreg:$0x8] =	wrdreg s5  }
0x32: {  	s25 =	simm.s32 $0x580;
	[dreg:$0xf] =	wrdreg s14  }
0x33: {  	s6 =	simm.s32 $0x600;
	[dreg:$0x1a] =	wrdreg s25  }
0x34: {  	s7 =	simm.s32 $0x1280;
	[dreg:$0x1c] =	wrdreg s6  }
0x35: {  	s8 =	simm.s32 $0x680;
	[dreg:$0x1d] =	wrdreg s7  }
0x36: {  	p0 =	seq.s32 s3, $0x1;
	s9 =	simm.s32 $0x1300;
	[dreg:$0x1e] =	wrdreg s8  }
0x37: {  	s4 =	sshll.u32 s4, $0x6;
	s24 =	simm.s32 $0xA00;
	[dreg:$0x1f] =	wrdreg s9  }
0x38: {  	s1 =	sshll.u32 s1, $0x6;
	s4 =	sadd.s32 s4, s2;
	[smem:$0x7E9] =	sst s24  }
0x39: {  	s1 =	sadd.s32 s1, s2;
	s4 =	sshrl.u32 @p0 s4, $0x3;
	s24 =	rddreg [dreg:$0x5]  }
0x3a: {  	s1 =	sshrl.u32 @!p0 s1, $0x3;
	[smem:$0x7FC] =	sst s4  }
0x3b: {  	s14 =	simm.s32 $0x780;
	[smem:$0x7FD] =	sst s1  }
0x3c: {  	s25 =	simm.s32 $0x1680;
	[smem:$0x7DF] =	sst s14  }
0x3d: {  	s6 =	simm.s32 $0x1700;
	[smem:$0x7EA] =	sst s25  }
0x3e: {  	s7 =	simm.s32 $0xB00;
	[smem:$0x7EC] =	sst s6  }
0x3f: {  	s8 =	simm.s32 $0x1780;
	[smem:$0x7ED] =	sst s7  }
0x40: {  	s9 =	simm.s32 $0xB80;
	[smem:$0x7EE] =	sst s8  }
0x41: {  	[smem:$0x7EF] =	sst s9;
	s14 =	simm.s32 $0x1880  }
0x42: {  	[tilespmem:s10], [sflag:$0x11] =	stream.linear.gather [hbm4b:s24+s10], $0xE00, $0x38;
	[tilespmem:$0x1E0B8] =	vst v63  }
0x43: {  	s15 =	simm.s32 $0x11;
	[smem:$0x7F2] =	sst s14  }
0x44: {  	_ =	swait.ge [sflag:s15], $0xE00  }
0x45: {  	[sflag:s15] =	ssyncset.done $0x0  }
0x46: {  	s13 =	simm.s32 $0xE00;
	s25 =	rddreg [dreg:$0x6];
	[sflag:s15] =	ssyncadd.s32 $0xFFFFF200  }
0x47: {  	[tilespmem:s13], [sflag:$0x11] =	stream.linear.gather [hbm4b:s25+s10], $0xE00, $0x38;
	[tilespmem:$0x1E0B8] =	vst v63  }
0x48: {  	_ =	swait.ge [sflag:s15], $0xE00  }
0x49: {  	s6 =	sadd.s32 $0xDCA00, s0;
	s7 =	simm.s32 $0x80;
	[sflag:s15] =	ssyncset.done $0x0  }
0x4a: {  	s9 =	simm.s32 $0x1C00;
	s26 =	rddreg [dreg:$0xf];
	[sflag:s15] =	ssyncadd.s32 $0xFFFFF200  }
0x4b: {  	[tilespmem:s9], [sflag:$0x1] =	stream.indirect.gather [hbm4b:s6+s7], $0x40, s10, s7, $0xb8;
	[tilespmem:$0x1E0B8] =	vst v63  }
0x4c: {  	s14 =	rddreg [dreg:$0x9];
	s10 =	simm.s32 $0x3C00  }
0x4d: {  	[tilespmem:s10], [sflag:$0x2] =	stream.indirect.gather [hbm4b:s6+s7], $0x40, s7, s7, $0xb8;
	[tilespmem:$0x1E0B8] =	vst v63  }
0x4e: {  	s11 =	simm.s32 $0x5C00;
	s16 =	rddreg [dreg:$0xa]  }
0x4f: {  	[tilespmem:s11], [sflag:$0x3] =	stream.indirect.gather [hbm4b:s6+s7], $0x40, s14, s7, $0xb8;
	[tilespmem:$0x1E0B8] =	vst v63  }
0x50: {  	s4 =	simm.s32 $0x7C00;
	s17 =	rddreg [dreg:$0xb]  }
0x51: {  	[tilespmem:s4], [sflag:$0x4] =	stream.indirect.gather [hbm4b:s6+s7], $0x40, s16, s7, $0xb8;
	[tilespmem:$0x1E0B8] =	vst v63  }
0x52: {  	s18 =	rddreg [dreg:$0xc];
	s14 =	simm.s32 $0x9C00  }
0x53: {  	[tilespmem:s14], [sflag:$0x5] =	stream.indirect.gather [hbm4b:s6+s7], $0x40, s17, s7, $0xb8;
	[tilespmem:$0x1E0B8] =	vst v63  }
0x54: {  	s8 =	simm.s32 $0xBC00;
	s19 =	rddreg [dreg:$0xd]  }
0x55: {  	[tilespmem:s8], [sflag:$0x6] =	stream.indirect.gather [hbm4b:s6+s7], $0x40, s18, s7, $0xb8;
	[tilespmem:$0x1E0B8] =	vst v63  }
0x56: {  	s12 =	sshll.u32 s12, $0x6;
	s20 =	rddreg [dreg:$0xe];
	s16 =	simm.s32 $0xDC00  }
0x57: {  	[tilespmem:s16], [sflag:$0x7] =	stream.indirect.gather [hbm4b:s6+s7], $0x40, s19, s7, $0xb8;
	[tilespmem:$0x1E0B8] =	vst v63  }
0x58: {  	s23 =	simm.s32 $0xFC00;
	s25 =	sor.u32 $0x1C11, s12;
	s21 =	rddreg [dreg:$0x4]  }
0x59: {  	[tilespmem:s23], [sflag:$0x8] =	stream.indirect.gather [hbm4b:s6+s7], $0x40, s20, s7, $0xb8;
	[tilespmem:$0x1E0B8] =	vst v63  }
0x5a: {  	[spmem:s26], [sflag:s25] =	dma.local [hbm:s21], $0x1898  }
0x5b: {  	_ =	swait.ge [sflag:s15], $0x1898  }
0x5c: {  	[sflag:s15] =	ssyncset.done $0x0  }
0x5d: {  	[sflag:s15] =	ssyncadd.s32 $0xFFFFE768  }
0x5e: {  	s17 =	simm.s32 $0x1;
	[bflag:$0x0] =	sbarrier.arrive $0xFFFF  }
0x5f: {  	_ =	swait.ge [sflag:s17], $0x2000  }
0x60: {  	[sflag:s17] =	ssyncset.done $0x0  }
0x61: {  	s18 =	simm.s32 $0x2;
	[sflag:s17] =	ssyncadd.s32 $0xFFFFE000  }
0x62: {  	[spmem:s2] =	stream.indirect.scatter.add.f32 [tilespmem:s9], [sflag:$0x9], $0x40, s13, s7, $0xb8;
	[tilespmem:$0x1E0B8] =	vst v63  }
0x63: {  	_ =	swait.ge [sflag:s18], $0x2000  }
0x64: {  	[sflag:s18] =	ssyncset.done $0x0  }
0x65: {  	s19 =	simm.s32 $0x3;
	s22 =	rddreg [dreg:$0x10];
	[sflag:s18] =	ssyncadd.s32 $0xFFFFE000  }
0x66: {  	[spmem:s2] =	stream.indirect.scatter.add.f32 [tilespmem:s10], [sflag:$0xA], $0x40, s22, s7, $0xb8;
	[tilespmem:$0x1E0B8] =	vst v63  }
0x67: {  	_ =	swait.ge [sflag:s19], $0x2000  }
0x68: {  	[sflag:s19] =	ssyncset.done $0x0  }
0x69: {  	s20 =	simm.s32 $0x4;
	s24 =	rddreg [dreg:$0x11];
	[sflag:s19] =	ssyncadd.s32 $0xFFFFE000  }
0x6a: {  	[spmem:s2] =	stream.indirect.scatter.add.f32 [tilespmem:s11], [sflag:$0xB], $0x40, s24, s7, $0xb8;
	[tilespmem:$0x1E0B8] =	vst v63  }
0x6b: {  	_ =	swait.ge [sflag:s20], $0x2000  }
0x6c: {  	[sflag:s20] =	ssyncset.done $0x0  }
0x6d: {  	s12 =	simm.s32 $0x5;
	s26 =	rddreg [dreg:$0x12];
	[sflag:s20] =	ssyncadd.s32 $0xFFFFE000  }
0x6e: {  	[spmem:s2] =	stream.indirect.scatter.add.f32 [tilespmem:s4], [sflag:$0xC], $0x40, s26, s7, $0xb8;
	[tilespmem:$0x1E0B8] =	vst v63  }
0x6f: {  	_ =	swait.ge [sflag:s12], $0x2000  }
0x70: {  	[sflag:s12] =	ssyncset.done $0x0  }
0x71: {  	s22 =	simm.s32 $0x9;
	s1 =	rddreg [dreg:$0x13];
	[sflag:s12] =	ssyncadd.s32 $0xFFFFE000  }
0x72: {  	[spmem:s2] =	stream.indirect.scatter.add.f32 [tilespmem:s14], [sflag:$0xD], $0x40, s1, s7, $0xb8;
	[tilespmem:$0x1E0B8] =	vst v63  }
0x73: {  	_ =	swait.ge [sflag:s22], $0x2000  }
0x74: {  	[sflag:s22] =	ssyncset.done $0x0  }
0x75: {  	s13 =	simm.s32 $0x6;
	s5 =	rddreg [dreg:$0x14];
	[sflag:s22] =	ssyncadd.s32 $0xFFFFE000  }
0x76: {  	[tilespmem:s9], [sflag:$0x1] =	stream.indirect.gather [hbm4b:s6+s7], $0x40, s5, s7, $0xb8;
	[tilespmem:$0x1E0B8] =	vst v63  }
0x77: {  	_ =	swait.ge [sflag:s13], $0x2000  }
0x78: {  	[sflag:s13] =	ssyncset.done $0x0  }
0x79: {  	s24 =	simm.s32 $0xA;
	s15 =	rddreg [dreg:$0x15];
	[sflag:s13] =	ssyncadd.s32 $0xFFFFE000  }
0x7a: {  	[spmem:s2] =	stream.indirect.scatter.add.f32 [tilespmem:s8], [sflag:$0xE], $0x40, s15, s7, $0xb8;
	[tilespmem:$0x1E0B8] =	vst v63  }
0x7b: {  	_ =	swait.ge [sflag:s24], $0x2000  }
0x7c: {  	[sflag:s24] =	ssyncset.done $0x0  }
0x7d: {  	s15 =	simm.s32 $0x7;
	s21 =	rddreg [dreg:$0x16];
	[sflag:s24] =	ssyncadd.s32 $0xFFFFE000  }
0x7e: {  	[tilespmem:s10], [sflag:$0x2] =	stream.indirect.gather [hbm4b:s6+s7], $0x40, s21, s7, $0xb8;
	[tilespmem:$0x1E0B8] =	vst v63  }
0x7f: {  	_ =	swait.ge [sflag:s15], $0x2000  }
0x80: {  	[sflag:s15] =	ssyncset.done $0x0  }
0x81: {  	s26 =	rddreg [dreg:$0x17];
	[sflag:s15] =	ssyncadd.s32 $0xFFFFE000  }
0x82: {  	[spmem:s2] =	stream.indirect.scatter.add.f32 [tilespmem:s16], [sflag:$0xF], $0x40, s26, s7, $0xb8;
	[tilespmem:$0x1E0B8] =	vst v63  }
0x83: {  	s26 =	simm.s32 $0xB  }
0x84: {  	_ =	swait.ge [sflag:s26], $0x2000  }
0x85: {  	[sflag:s26] =	ssyncset.done $0x0  }
0x86: {  	s28 =	simm.s32 $0x8;
	s1 =	rddreg [dreg:$0x18];
	[sflag:s26] =	ssyncadd.s32 $0xFFFFE000  }
0x87: {  	[tilespmem:s11], [sflag:$0x3] =	stream.indirect.gather [hbm4b:s6+s7], $0x40, s1, s7, $0xb8;
	[tilespmem:$0x1E0B8] =	vst v63  }
0x88: {  	_ =	swait.ge [sflag:s28], $0x2000  }
0x89: {  	[sflag:s28] =	ssyncset.done $0x0  }
0x8a: {  	s29 =	simm.s32 $0xC;
	s5 =	rddreg [dreg:$0x19];
	[sflag:s28] =	ssyncadd.s32 $0xFFFFE000  }
0x8b: {  	[spmem:s2] =	stream.indirect.scatter.add.f32 [tilespmem:s23], [sflag:$0x10], $0x40, s5, s7, $0xb8;
	[tilespmem:$0x1E0B8] =	vst v63  }
0x8c: {  	_ =	swait.ge [sflag:s29], $0x2000  }
0x8d: {  	[sflag:s29] =	ssyncset.done $0x0  }
0x8e: {  	s21 =	rddreg [dreg:$0x1a];
	[sflag:s29] =	ssyncadd.s32 $0xFFFFE000  }
0x8f: {  	[tilespmem:s4], [sflag:$0x4] =	stream.indirect.gather [hbm4b:s6+s7], $0x40, s21, s7, $0xb8;
	[tilespmem:$0x1E0B8] =	vst v63  }
0x90: {  	_ =	swait.ge [sflag:s17], $0x2000  }
0x91: {  	[sflag:s17] =	ssyncset.done $0x0  }
0x92: {  	s30 =	simm.s32 $0xD;
	s1 =	rddreg [dreg:$0x1b];
	[sflag:s17] =	ssyncadd.s32 $0xFFFFE000  }
0x93: {  	[spmem:s2] =	stream.indirect.scatter.add.f32 [tilespmem:s9], [sflag:$0x9], $0x40, s1, s7, $0xb8;
	[tilespmem:$0x1E0B8] =	vst v63  }
0x94: {  	_ =	swait.ge [sflag:s30], $0x2000  }
0x95: {  	[sflag:s30] =	ssyncset.done $0x0  }
0x96: {  	s5 =	rddreg [dreg:$0x1c];
	[sflag:s30] =	ssyncadd.s32 $0xFFFFE000  }
0x97: {  	[tilespmem:s14], [sflag:$0x5] =	stream.indirect.gather [hbm4b:s6+s7], $0x40, s5, s7, $0xb8;
	[tilespmem:$0x1E0B8] =	vst v63  }
0x98: {  	_ =	swait.ge [sflag:s18], $0x2000  }
0x99: {  	[sflag:s18] =	ssyncset.done $0x0  }
0x9a: {  	s31 =	simm.s32 $0xE;
	s21 =	rddreg [dreg:$0x1d];
	[sflag:s18] =	ssyncadd.s32 $0xFFFFE000  }
0x9b: {  	[spmem:s2] =	stream.indirect.scatter.add.f32 [tilespmem:s10], [sflag:$0xA], $0x40, s21, s7, $0xb8;
	[tilespmem:$0x1E0B8] =	vst v63  }
0x9c: {  	_ =	swait.ge [sflag:s31], $0x2000  }
0x9d: {  	[sflag:s31] =	ssyncset.done $0x0  }
0x9e: {  	s1 =	rddreg [dreg:$0x1e];
	[sflag:s31] =	ssyncadd.s32 $0xFFFFE000  }
0x9f: {  	[tilespmem:s8], [sflag:$0x6] =	stream.indirect.gather [hbm4b:s6+s7], $0x40, s1, s7, $0xb8;
	[tilespmem:$0x1E0B8] =	vst v63  }
0xa0: {  	_ =	swait.ge [sflag:s19], $0x2000  }
0xa1: {  	[sflag:s19] =	ssyncset.done $0x0  }
0xa2: {  	s0 =	simm.s32 $0xF;
	s5 =	rddreg [dreg:$0x1f];
	[sflag:s19] =	ssyncadd.s32 $0xFFFFE000  }
0xa3: {  	[spmem:s2] =	stream.indirect.scatter.add.f32 [tilespmem:s11], [sflag:$0xB], $0x40, s5, s7, $0xb8;
	[tilespmem:$0x1E0B8] =	vst v63  }
0xa4: {  	_ =	swait.ge [sflag:s0], $0x2000  }
0xa5: {  	s21 =	sld [smem:$0x7DD]  }
0xa6: {  	[sflag:s0] =	ssyncset.done $0x0  }
0xa7: {  	[sflag:s0] =	ssyncadd.s32 $0xFFFFE000  }
0xa8: {  	[tilespmem:s16], [sflag:$0x7] =	stream.indirect.gather [hbm4b:s6+s7], $0x40, s21, s7, $0xb8;
	[tilespmem:$0x1E0B8] =	vst v63  }
0xa9: {  	_ =	swait.ge [sflag:s20], $0x2000  }
0xaa: {  	s5 =	sld [smem:$0x7DE]  }
0xab: {  	[sflag:s20] =	ssyncset.done $0x0  }
0xac: {  	s1 =	simm.s32 $0x10;
	[sflag:s20] =	ssyncadd.s32 $0xFFFFE000  }
0xad: {  	[spmem:s2] =	stream.indirect.scatter.add.f32 [tilespmem:s4], [sflag:$0xC], $0x40, s5, s7, $0xb8;
	[tilespmem:$0x1E0B8] =	vst v63  }
0xae: {  	_ =	swait.ge [sflag:s1], $0x2000  }
0xaf: {  	s21 =	sld [smem:$0x7DF]  }
0xb0: {  	[sflag:s1] =	ssyncset.done $0x0  }
0xb1: {  	[sflag:s1] =	ssyncadd.s32 $0xFFFFE000  }
0xb2: {  	[tilespmem:s23], [sflag:$0x8] =	stream.indirect.gather [hbm4b:s6+s7], $0x40, s21, s7, $0xb8;
	[tilespmem:$0x1E0B8] =	vst v63  }
0xb3: {  	_ =	swait.ge [sflag:s12], $0x2000  }
0xb4: {  	s21 =	sld [smem:$0x7E0]  }
0xb5: {  	[sflag:s12] =	ssyncset.done $0x0  }
0xb6: {  	[sflag:s12] =	ssyncadd.s32 $0xFFFFE000  }
0xb7: {  	[spmem:s2] =	stream.indirect.scatter.add.f32 [tilespmem:s14], [sflag:$0xD], $0x40, s21, s7, $0xb8;
	[tilespmem:$0x1E0B8] =	vst v63  }
0xb8: {  	_ =	swait.ge [sflag:s22], $0x2000  }
0xb9: {  	s21 =	sld [smem:$0x7E1]  }
0xba: {  	[sflag:s22] =	ssyncset.done $0x0  }
0xbb: {  	[sflag:s22] =	ssyncadd.s32 $0xFFFFE000  }
0xbc: {  	[tilespmem:s9], [sflag:$0x1] =	stream.indirect.gather [hbm4b:s6+s7], $0x40, s21, s7, $0xb8;
	[tilespmem:$0x1E0B8] =	vst v63  }
0xbd: {  	_ =	swait.ge [sflag:s13], $0x2000  }
0xbe: {  	s21 =	sld [smem:$0x7E2]  }
0xbf: {  	[sflag:s13] =	ssyncset.done $0x0  }
0xc0: {  	[sflag:s13] =	ssyncadd.s32 $0xFFFFE000  }
0xc1: {  	[spmem:s2] =	stream.indirect.scatter.add.f32 [tilespmem:s8], [sflag:$0xE], $0x40, s21, s7, $0xb8;
	[tilespmem:$0x1E0B8] =	vst v63  }
0xc2: {  	_ =	swait.ge [sflag:s24], $0x2000  }
0xc3: {  	s21 =	sld [smem:$0x7E3]  }
0xc4: {  	[sflag:s24] =	ssyncset.done $0x0  }
0xc5: {  	[sflag:s24] =	ssyncadd.s32 $0xFFFFE000  }
0xc6: {  	[tilespmem:s10], [sflag:$0x2] =	stream.indirect.gather [hbm4b:s6+s7], $0x40, s21, s7, $0xb8;
	[tilespmem:$0x1E0B8] =	vst v63  }
0xc7: {  	_ =	swait.ge [sflag:s15], $0x2000  }
0xc8: {  	s21 =	sld [smem:$0x7E4]  }
0xc9: {  	[sflag:s15] =	ssyncset.done $0x0  }
0xca: {  	[sflag:s15] =	ssyncadd.s32 $0xFFFFE000  }
0xcb: {  	[spmem:s2] =	stream.indirect.scatter.add.f32 [tilespmem:s16], [sflag:$0xF], $0x40, s21, s7, $0xb8;
	[tilespmem:$0x1E0B8] =	vst v63  }
0xcc: {  	_ =	swait.ge [sflag:s26], $0x2000  }
0xcd: {  	s21 =	sld [smem:$0x7E5]  }
0xce: {  	[sflag:s26] =	ssyncset.done $0x0  }
0xcf: {  	[sflag:s26] =	ssyncadd.s32 $0xFFFFE000  }
0xd0: {  	[tilespmem:s11], [sflag:$0x3] =	stream.indirect.gather [hbm4b:s6+s7], $0x40, s21, s7, $0xb8;
	[tilespmem:$0x1E0B8] =	vst v63  }
0xd1: {  	_ =	swait.ge [sflag:s28], $0x2000  }
0xd2: {  	s21 =	sld [smem:$0x7E6]  }
0xd3: {  	[sflag:s28] =	ssyncset.done $0x0  }
0xd4: {  	[sflag:s28] =	ssyncadd.s32 $0xFFFFE000  }
0xd5: {  	[spmem:s2] =	stream.indirect.scatter.add.f32 [tilespmem:s23], [sflag:$0x10], $0x40, s21, s7, $0xb8;
	[tilespmem:$0x1E0B8] =	vst v63  }
0xd6: {  	_ =	swait.ge [sflag:s29], $0x2000  }
0xd7: {  	s21 =	sld [smem:$0x7E7]  }
0xd8: {  	[sflag:s29] =	ssyncset.done $0x0  }
0xd9: {  	[sflag:s29] =	ssyncadd.s32 $0xFFFFE000  }
0xda: {  	[tilespmem:s4], [sflag:$0x4] =	stream.indirect.gather [hbm4b:s6+s7], $0x40, s21, s7, $0xb8;
	[tilespmem:$0x1E0B8] =	vst v63  }
0xdb: {  	_ =	swait.ge [sflag:s17], $0x2000  }
0xdc: {  	s21 =	sld [smem:$0x7E8]  }
0xdd: {  	[sflag:s17] =	ssyncset.done $0x0  }
0xde: {  	[sflag:s17] =	ssyncadd.s32 $0xFFFFE000  }
0xdf: {  	[spmem:s2] =	stream.indirect.scatter.add.f32 [tilespmem:s9], [sflag:$0x9], $0x40, s21, s7, $0xb8;
	[tilespmem:$0x1E0B8] =	vst v63  }
0xe0: {  	_ =	swait.ge [sflag:s30], $0x2000  }
0xe1: {  	s21 =	sld [smem:$0x7E9]  }
0xe2: {  	[sflag:s30] =	ssyncset.done $0x0  }
0xe3: {  	[sflag:s30] =	ssyncadd.s32 $0xFFFFE000  }
0xe4: {  	[tilespmem:s14], [sflag:$0x5] =	stream.indirect.gather [hbm4b:s6+s7], $0x40, s21, s7, $0xb8;
	[tilespmem:$0x1E0B8] =	vst v63  }
0xe5: {  	_ =	swait.ge [sflag:s18], $0x2000  }
0xe6: {  	s21 =	sld [smem:$0x7EA]  }
0xe7: {  	[sflag:s18] =	ssyncset.done $0x0  }
0xe8: {  	[sflag:s18] =	ssyncadd.s32 $0xFFFFE000  }
0xe9: {  	[spmem:s2] =	stream.indirect.scatter.add.f32 [tilespmem:s10], [sflag:$0xA], $0x40, s21, s7, $0xb8;
	[tilespmem:$0x1E0B8] =	vst v63  }
0xea: {  	_ =	swait.ge [sflag:s31], $0x2000  }
0xeb: {  	s21 =	sld [smem:$0x7EB]  }
0xec: {  	[sflag:s31] =	ssyncset.done $0x0  }
0xed: {  	[sflag:s31] =	ssyncadd.s32 $0xFFFFE000  }
0xee: {  	[tilespmem:s8], [sflag:$0x6] =	stream.indirect.gather [hbm4b:s6+s7], $0x40, s21, s7, $0xb8;
	[tilespmem:$0x1E0B8] =	vst v63  }
0xef: {  	_ =	swait.ge [sflag:s19], $0x2000  }
0xf0: {  	s21 =	sld [smem:$0x7EC]  }
0xf1: {  	[sflag:s19] =	ssyncset.done $0x0  }
0xf2: {  	[sflag:s19] =	ssyncadd.s32 $0xFFFFE000  }
0xf3: {  	[spmem:s2] =	stream.indirect.scatter.add.f32 [tilespmem:s11], [sflag:$0xB], $0x40, s21, s7, $0xb8;
	[tilespmem:$0x1E0B8] =	vst v63  }
0xf4: {  	_ =	swait.ge [sflag:s0], $0x2000  }
0xf5: {  	s21 =	sld [smem:$0x7ED]  }
0xf6: {  	[sflag:s0] =	ssyncset.done $0x0  }
0xf7: {  	[sflag:s0] =	ssyncadd.s32 $0xFFFFE000  }
0xf8: {  	[tilespmem:s16], [sflag:$0x7] =	stream.indirect.gather [hbm4b:s6+s7], $0x40, s21, s7, $0xb8;
	[tilespmem:$0x1E0B8] =	vst v63  }
0xf9: {  	_ =	swait.ge [sflag:s20], $0x2000  }
0xfa: {  	s21 =	sld [smem:$0x7EE]  }
0xfb: {  	[sflag:s20] =	ssyncset.done $0x0  }
0xfc: {  	[sflag:s20] =	ssyncadd.s32 $0xFFFFE000  }
0xfd: {  	[spmem:s2] =	stream.indirect.scatter.add.f32 [tilespmem:s4], [sflag:$0xC], $0x40, s21, s7, $0xb8;
	[tilespmem:$0x1E0B8] =	vst v63  }
0xfe: {  	_ =	swait.ge [sflag:s1], $0x2000  }
0xff: {  	s21 =	sld [smem:$0x7EF]  }
0x100: {  	[sflag:s1] =	ssyncset.done $0x0  }
0x101: {  	[sflag:s1] =	ssyncadd.s32 $0xFFFFE000  }
0x102: {  	[tilespmem:s23], [sflag:$0x8] =	stream.indirect.gather [hbm4b:s6+s7], $0x40, s21, s7, $0xb8;
	[tilespmem:$0x1E0B8] =	vst v63  }
0x103: {  	_ =	swait.ge [sflag:s12], $0x2000  }
0x104: {  	s21 =	sld [smem:$0x7F0]  }
0x105: {  	[sflag:s12] =	ssyncset.done $0x0  }
0x106: {  	[sflag:s12] =	ssyncadd.s32 $0xFFFFE000  }
0x107: {  	[spmem:s2] =	stream.indirect.scatter.add.f32 [tilespmem:s14], [sflag:$0xD], $0x40, s21, s7, $0xb8;
	[tilespmem:$0x1E0B8] =	vst v63  }
0x108: {  	_ =	swait.ge [sflag:s22], $0x2000  }
0x109: {  	s21 =	sld [smem:$0x7F1]  }
0x10a: {  	[sflag:s22] =	ssyncset.done $0x0  }
0x10b: {  	[sflag:s22] =	ssyncadd.s32 $0xFFFFE000  }
0x10c: {  	[tilespmem:s9], [sflag:$0x1] =	stream.indirect.gather [hbm4b:s6+s7], $0x40, s21, s7, $0xb8;
	[tilespmem:$0x1E0B8] =	vst v63  }
0x10d: {  	_ =	swait.ge [sflag:s13], $0x2000  }
0x10e: {  	s12 =	sld [smem:$0x7F2]  }
0x10f: {  	[sflag:s13] =	ssyncset.done $0x0  }
0x110: {  	[sflag:s13] =	ssyncadd.s32 $0xFFFFE000  }
0x111: {  	[spmem:s2] =	stream.indirect.scatter.add.f32 [tilespmem:s8], [sflag:$0xE], $0x40, s12, s7, $0xb8;
	[tilespmem:$0x1E0B8] =	vst v63  }
0x112: {  	_ =	swait.ge [sflag:s24], $0x2000  }
0x113: {  	s14 =	sld [smem:$0x7F3]  }
0x114: {  	[sflag:s24] =	ssyncset.done $0x0  }
0x115: {  	[sflag:s24] =	ssyncadd.s32 $0xFFFFE000  }
0x116: {  	[tilespmem:s10], [sflag:$0x2] =	stream.indirect.gather [hbm4b:s6+s7], $0x40, s14, s7, $0xb8;
	[tilespmem:$0x1E0B8] =	vst v63  }
0x117: {  	_ =	swait.ge [sflag:s15], $0x2000  }
0x118: {  	s21 =	sld [smem:$0x7F4]  }
0x119: {  	[sflag:s15] =	ssyncset.done $0x0  }
0x11a: {  	[sflag:s15] =	ssyncadd.s32 $0xFFFFE000  }
0x11b: {  	[spmem:s2] =	stream.indirect.scatter.add.f32 [tilespmem:s16], [sflag:$0xF], $0x40, s21, s7, $0xb8;
	[tilespmem:$0x1E0B8] =	vst v63  }
0x11c: {  	_ =	swait.ge [sflag:s26], $0x2000  }
0x11d: {  	s8 =	sld [smem:$0x7F5]  }
0x11e: {  	[sflag:s26] =	ssyncset.done $0x0  }
0x11f: {  	[sflag:s26] =	ssyncadd.s32 $0xFFFFE000  }
0x120: {  	[tilespmem:s11], [sflag:$0x3] =	stream.indirect.gather [hbm4b:s6+s7], $0x40, s8, s7, $0xb8;
	[tilespmem:$0x1E0B8] =	vst v63  }
0x121: {  	_ =	swait.ge [sflag:s28], $0x2000  }
0x122: {  	s12 =	sld [smem:$0x7F6]  }
0x123: {  	[sflag:s28] =	ssyncset.done $0x0  }
0x124: {  	[sflag:s28] =	ssyncadd.s32 $0xFFFFE000  }
0x125: {  	[spmem:s2] =	stream.indirect.scatter.add.f32 [tilespmem:s23], [sflag:$0x10], $0x40, s12, s7, $0xb8;
	[tilespmem:$0x1E0B8] =	vst v63  }
0x126: {  	_ =	swait.ge [sflag:s29], $0x2000  }
0x127: {  	s13 =	sld [smem:$0x7F7]  }
0x128: {  	[sflag:s29] =	ssyncset.done $0x0  }
0x129: {  	[sflag:s29] =	ssyncadd.s32 $0xFFFFE000  }
0x12a: {  	[tilespmem:s4], [sflag:$0x4] =	stream.indirect.gather [hbm4b:s6+s7], $0x40, s13, s7, $0xb8;
	[tilespmem:$0x1E0B8] =	vst v63  }
0x12b: {  	_ =	swait.ge [sflag:s17], $0x2000  }
0x12c: {  	s14 =	sld [smem:$0x7F8]  }
0x12d: {  	[sflag:s17] =	ssyncset.done $0x0  }
0x12e: {  	[sflag:s17] =	ssyncadd.s32 $0xFFFFE000  }
0x12f: {  	[spmem:s2] =	stream.indirect.scatter.add.f32 [tilespmem:s9], [sflag:$0x9], $0x40, s14, s7, $0xb8;
	[tilespmem:$0x1E0B8] =	vst v63  }
0x130: {  	_ =	swait.ge [sflag:s30], $0x2000  }
0x131: {  	[sflag:s30] =	ssyncset.done $0x0  }
0x132: {  	[sflag:s30] =	ssyncadd.s32 $0xFFFFE000  }
0x133: {  	_ =	swait.ge [sflag:s18], $0x2000  }
0x134: {  	s15 =	sld [smem:$0x7F9]  }
0x135: {  	[sflag:s18] =	ssyncset.done $0x0  }
0x136: {  	[sflag:s18] =	ssyncadd.s32 $0xFFFFE000  }
0x137: {  	[spmem:s2] =	stream.indirect.scatter.add.f32 [tilespmem:s10], [sflag:$0xA], $0x40, s15, s7, $0xb8;
	[tilespmem:$0x1E0B8] =	vst v63  }
0x138: {  	_ =	swait.ge [sflag:s31], $0x2000  }
0x139: {  	[sflag:s31] =	ssyncset.done $0x0  }
0x13a: {  	[sflag:s31] =	ssyncadd.s32 $0xFFFFE000  }
0x13b: {  	_ =	swait.ge [sflag:s19], $0x2000  }
0x13c: {  	s16 =	sld [smem:$0x7FA]  }
0x13d: {  	[sflag:s19] =	ssyncset.done $0x0  }
0x13e: {  	[sflag:s19] =	ssyncadd.s32 $0xFFFFE000  }
0x13f: {  	[spmem:s2] =	stream.indirect.scatter.add.f32 [tilespmem:s11], [sflag:$0xB], $0x40, s16, s7, $0xb8;
	[tilespmem:$0x1E0B8] =	vst v63  }
0x140: {  	_ =	swait.ge [sflag:s0], $0x2000  }
0x141: {  	[sflag:s0] =	ssyncset.done $0x0  }
0x142: {  	[sflag:s0] =	ssyncadd.s32 $0xFFFFE000  }
0x143: {  	_ =	swait.ge [sflag:s20], $0x2000  }
0x144: {  	s21 =	sld [smem:$0x7FB]  }
0x145: {  	[sflag:s20] =	ssyncset.done $0x0  }
0x146: {  	[sflag:s20] =	ssyncadd.s32 $0xFFFFE000  }
0x147: {  	[spmem:s2] =	stream.indirect.scatter.add.f32 [tilespmem:s4], [sflag:$0xC], $0x40, s21, s7, $0xb8;
	[tilespmem:$0x1E0B8] =	vst v63  }
0x148: {  	_ =	swait.ge [sflag:s1], $0x2000  }
0x149: {  	[sflag:s1] =	ssyncset.done $0x0  }
0x14a: {  	[sflag:s1] =	ssyncadd.s32 $0xFFFFE000  }
0x14b: {  	_ =	swait.ge [sflag:s22], $0x2000  }
0x14c: {  	[sflag:s22] =	ssyncset.done $0x0  }
0x14d: {  	[sflag:s22] =	ssyncadd.s32 $0xFFFFE000  }
0x14e: {  	_ =	swait.ge [sflag:s24], $0x2000  }
0x14f: {  	[sflag:s24] =	ssyncset.done $0x0  }
0x150: {  	[sflag:s24] =	ssyncadd.s32 $0xFFFFE000  }
0x151: {  	_ =	swait.ge [sflag:s26], $0x2000  }
0x152: {  	[sflag:s26] =	ssyncset.done $0x0  }
0x153: {  	[sflag:s26] =	ssyncadd.s32 $0xFFFFE000  }
0x154: {  	_ =	swait.ge [sflag:s29], $0x2000  }
0x155: {  	[sflag:s29] =	ssyncset.done $0x0  }
0x156: {  	[sflag:s29] =	ssyncadd.s32 $0xFFFFE000  }
0x157: {  	s3 =	ssub.s32 $0x2, s3;
	[bflag:$0x0] =	sbarrier.arrive $0xFFFF  }
0x158: {  	s23 =	sshrl.u32 s3, $0x1;
	s12 =	sld [smem:$0x7FC]  }
0x159: {  	s3 =	ssub.s32 s3, s23  }
0x15a: {  	s3 =	smax.u32 s3, $0x1;
	s5 =	rddreg [dreg:$0x8]  }
0x15b: {  	[hbm:s5], [sflag:s25] =	dma.local @p0 [spmem:s12], $0x1898  }
0x15c: {  	s5 =	sadd.s32 $0xFFFFFFFF, s3  }
0x15d: {  	p1 =	sne.s32 s5, $0x0  }
.Ltmp0:
0x15e: {  	_ = 	snop;
	(pc) =	sbr.rel @!p1 .LBB2_3-.Ltmp0, $4  }
0x15f: {  	s4 =	simm.s32 @p0 $0x11  }
0x160: {  	_ =	swait.ge @p0 [sflag:s4], $0x1898  }
0x161: {  	[sflag:s4] =	ssyncset.done @p0 $0x0;
	s3 =	rddreg [dreg:$0x7]  }
0x162: {  	s12 =	sld [smem:$0x7FD];
	[sflag:s4] =	ssyncadd.s32 @p0 $0xFFFFE768;
	s4 =	simm.s32 @!p0 $0x11  }
0x163: {  	s21 =	simm.s32 $0x11  }
0x164: {  	s9 =	simm.s32 $0x1C00;
	s10 =	simm.s32 $0x3C00;
	s11 =	simm.s32 $0x5C00  }
0x165: {  	s15 =	simm.s32 $0x9C00;
	s8 =	simm.s32 $0xBC00;
	s23 =	simm.s32 $0xDC00  }
.LBB2_2:
0x166: {  	_ =	sdelay $0x1  }
0x167: {  	[hbm:s3], [sflag:s25] =	dma.local @!p0 [spmem:s12], $0x5F0  }
0x168: {  	_ =	swait.ge @!p0 [sflag:s4], $0x5F0  }
0x169: {  	[sflag:s4] =	ssyncset.done @!p0 $0x0  }
0x16a: {  	s13 =	simm.s32 $0x0;
	s12 =	rddreg [dreg:$0x5];
	[sflag:s4] =	ssyncadd.s32 @!p0 $0xFFFFFA10  }
0x16b: {  	[tilespmem:s13], [sflag:$0x11] =	stream.linear.gather [hbm4b:s12+s13], $0xE00, $0x38;
	[tilespmem:$0x1E0B8] =	vst v63  }
0x16c: {  	_ =	swait.ge [sflag:s21], $0xE00  }
0x16d: {  	[sflag:s21] =	ssyncset.done $0x0  }
0x16e: {  	s16 =	simm.s32 $0xE00;
	s14 =	rddreg [dreg:$0x6];
	[sflag:s21] =	ssyncadd.s32 $0xFFFFF200  }
0x16f: {  	[tilespmem:s16], [sflag:$0x11] =	stream.linear.gather [hbm4b:s14+s13], $0xE00, $0x38;
	[tilespmem:$0x1E0B8] =	vst v63  }
0x170: {  	_ =	swait.ge [sflag:s21], $0xE00  }
0x171: {  	[sflag:s21] =	ssyncset.done $0x0  }
0x172: {  	s3 =	rddreg [dreg:$0xf];
	[sflag:s21] =	ssyncadd.s32 $0xFFFFF200  }
0x173: {  	[tilespmem:s9], [sflag:$0x1] =	stream.indirect.gather [hbm4b:s6+s7], $0x40, s13, s7, $0xb8;
	[tilespmem:$0x1E0B8] =	vst v63  }
0x174: {  	s12 =	rddreg [dreg:$0x4]  }
0x175: {  	[tilespmem:s10], [sflag:$0x2] =	stream.indirect.gather [hbm4b:s6+s7], $0x40, s7, s7, $0xb8;
	[tilespmem:$0x1E0B8] =	vst v63  }
0x176: {  	s4 =	rddreg [dreg:$0x9]  }
0x177: {  	[tilespmem:s11], [sflag:$0x3] =	stream.indirect.gather [hbm4b:s6+s7], $0x40, s4, s7, $0xb8;
	[tilespmem:$0x1E0B8] =	vst v63  }
0x178: {  	s14 =	rddreg [dreg:$0xa];
	s4 =	simm.s32 $0x7C00  }
0x179: {  	[tilespmem:s4], [sflag:$0x4] =	stream.indirect.gather [hbm4b:s6+s7], $0x40, s14, s7, $0xb8;
	[tilespmem:$0x1E0B8] =	vst v63  }
0x17a: {  	s13 =	rddreg [dreg:$0xb]  }
0x17b: {  	[tilespmem:s15], [sflag:$0x5] =	stream.indirect.gather [hbm4b:s6+s7], $0x40, s13, s7, $0xb8;
	[tilespmem:$0x1E0B8] =	vst v63  }
0x17c: {  	s14 =	rddreg [dreg:$0xc]  }
0x17d: {  	[tilespmem:s8], [sflag:$0x6] =	stream.indirect.gather [hbm4b:s6+s7], $0x40, s14, s7, $0xb8;
	[tilespmem:$0x1E0B8] =	vst v63  }
0x17e: {  	s13 =	rddreg [dreg:$0xd]  }
0x17f: {  	[tilespmem:s23], [sflag:$0x7] =	stream.indirect.gather [hbm4b:s6+s7], $0x40, s13, s7, $0xb8;
	[tilespmem:$0x1E0B8] =	vst v63  }
0x180: {  	s14 =	rddreg [dreg:$0xe];
	s13 =	simm.s32 $0xFC00  }
0x181: {  	[tilespmem:s13], [sflag:$0x8] =	stream.indirect.gather [hbm4b:s6+s7], $0x40, s14, s7, $0xb8;
	[tilespmem:$0x1E0B8] =	vst v63  }
0x182: {  	[spmem:s3], [sflag:s25] =	dma.local [hbm:s12], $0x1898  }
0x183: {  	_ =	swait.ge [sflag:s21], $0x1898  }
0x184: {  	[sflag:s21] =	ssyncset.done $0x0  }
0x185: {  	[sflag:s21] =	ssyncadd.s32 $0xFFFFE768  }
0x186: {  	[bflag:$0x0] =	sbarrier.arrive $0xFFFF  }
0x187: {  	_ =	swait.ge [sflag:s17], $0x2000  }
0x188: {  	[sflag:s17] =	ssyncset.done $0x0  }
0x189: {  	[sflag:s17] =	ssyncadd.s32 $0xFFFFE000  }
0x18a: {  	[spmem:s2] =	stream.indirect.scatter.add.f32 [tilespmem:s9], [sflag:$0x9], $0x40, s16, s7, $0xb8;
	[tilespmem:$0x1E0B8] =	vst v63  }
0x18b: {  	_ =	swait.ge [sflag:s18], $0x2000  }
0x18c: {  	[sflag:s18] =	ssyncset.done $0x0  }
0x18d: {  	s16 =	rddreg [dreg:$0x10];
	[sflag:s18] =	ssyncadd.s32 $0xFFFFE000  }
0x18e: {  	[spmem:s2] =	stream.indirect.scatter.add.f32 [tilespmem:s10], [sflag:$0xA], $0x40, s16, s7, $0xb8;
	[tilespmem:$0x1E0B8] =	vst v63  }
0x18f: {  	_ =	swait.ge [sflag:s19], $0x2000  }
0x190: {  	[sflag:s19] =	ssyncset.done $0x0  }
0x191: {  	s12 =	rddreg [dreg:$0x11];
	[sflag:s19] =	ssyncadd.s32 $0xFFFFE000  }
0x192: {  	[spmem:s2] =	stream.indirect.scatter.add.f32 [tilespmem:s11], [sflag:$0xB], $0x40, s12, s7, $0xb8;
	[tilespmem:$0x1E0B8] =	vst v63  }
0x193: {  	_ =	swait.ge [sflag:s20], $0x2000  }
0x194: {  	[sflag:s20] =	ssyncset.done $0x0  }
0x195: {  	s12 =	simm.s32 $0x5;
	s14 =	rddreg [dreg:$0x12];
	[sflag:s20] =	ssyncadd.s32 $0xFFFFE000  }
0x196: {  	[spmem:s2] =	stream.indirect.scatter.add.f32 [tilespmem:s4], [sflag:$0xC], $0x40, s14, s7, $0xb8;
	[tilespmem:$0x1E0B8] =	vst v63  }
0x197: {  	_ =	swait.ge [sflag:s12], $0x2000  }
0x198: {  	[sflag:s12] =	ssyncset.done $0x0  }
0x199: {  	s16 =	rddreg [dreg:$0x13];
	[sflag:s12] =	ssyncadd.s32 $0xFFFFE000  }
0x19a: {  	[spmem:s2] =	stream.indirect.scatter.add.f32 [tilespmem:s15], [sflag:$0xD], $0x40, s16, s7, $0xb8;
	[tilespmem:$0x1E0B8] =	vst v63  }
0x19b: {  	_ =	swait.ge [sflag:s22], $0x2000  }
0x19c: {  	[sflag:s22] =	ssyncset.done $0x0  }
0x19d: {  	s14 =	rddreg [dreg:$0x14];
	[sflag:s22] =	ssyncadd.s32 $0xFFFFE000  }
0x19e: {  	[tilespmem:s9], [sflag:$0x1] =	stream.indirect.gather [hbm4b:s6+s7], $0x40, s14, s7, $0xb8;
	[tilespmem:$0x1E0B8] =	vst v63  }
0x19f: {  	s14 =	simm.s32 $0x6  }
0x1a0: {  	_ =	swait.ge [sflag:s14], $0x2000  }
0x1a1: {  	[sflag:s14] =	ssyncset.done $0x0  }
0x1a2: {  	s16 =	rddreg [dreg:$0x15];
	[sflag:s14] =	ssyncadd.s32 $0xFFFFE000  }
0x1a3: {  	[spmem:s2] =	stream.indirect.scatter.add.f32 [tilespmem:s8], [sflag:$0xE], $0x40, s16, s7, $0xb8;
	[tilespmem:$0x1E0B8] =	vst v63  }
0x1a4: {  	_ =	swait.ge [sflag:s24], $0x2000  }
0x1a5: {  	[sflag:s24] =	ssyncset.done $0x0  }
0x1a6: {  	s16 =	rddreg [dreg:$0x16];
	[sflag:s24] =	ssyncadd.s32 $0xFFFFE000  }
0x1a7: {  	[tilespmem:s10], [sflag:$0x2] =	stream.indirect.gather [hbm4b:s6+s7], $0x40, s16, s7, $0xb8;
	[tilespmem:$0x1E0B8] =	vst v63  }
0x1a8: {  	s16 =	simm.s32 $0x7  }
0x1a9: {  	_ =	swait.ge [sflag:s16], $0x2000  }
0x1aa: {  	[sflag:s16] =	ssyncset.done $0x0  }
0x1ab: {  	s3 =	rddreg [dreg:$0x17];
	[sflag:s16] =	ssyncadd.s32 $0xFFFFE000  }
0x1ac: {  	[spmem:s2] =	stream.indirect.scatter.add.f32 [tilespmem:s23], [sflag:$0xF], $0x40, s3, s7, $0xb8;
	[tilespmem:$0x1E0B8] =	vst v63  }
0x1ad: {  	_ =	swait.ge [sflag:s26], $0x2000  }
0x1ae: {  	[sflag:s26] =	ssyncset.done $0x0  }
0x1af: {  	s3 =	rddreg [dreg:$0x18];
	[sflag:s26] =	ssyncadd.s32 $0xFFFFE000  }
0x1b0: {  	[tilespmem:s11], [sflag:$0x3] =	stream.indirect.gather [hbm4b:s6+s7], $0x40, s3, s7, $0xb8;
	[tilespmem:$0x1E0B8] =	vst v63  }
0x1b1: {  	_ =	swait.ge [sflag:s28], $0x2000  }
0x1b2: {  	[sflag:s28] =	ssyncset.done $0x0  }
0x1b3: {  	s3 =	rddreg [dreg:$0x19];
	[sflag:s28] =	ssyncadd.s32 $0xFFFFE000  }
0x1b4: {  	[spmem:s2] =	stream.indirect.scatter.add.f32 [tilespmem:s13], [sflag:$0x10], $0x40, s3, s7, $0xb8;
	[tilespmem:$0x1E0B8] =	vst v63  }
0x1b5: {  	_ =	swait.ge [sflag:s29], $0x2000  }
0x1b6: {  	[sflag:s29] =	ssyncset.done $0x0  }
0x1b7: {  	s3 =	rddreg [dreg:$0x1a];
	[sflag:s29] =	ssyncadd.s32 $0xFFFFE000  }
0x1b8: {  	[tilespmem:s4], [sflag:$0x4] =	stream.indirect.gather [hbm4b:s6+s7], $0x40, s3, s7, $0xb8;
	[tilespmem:$0x1E0B8] =	vst v63  }
0x1b9: {  	_ =	swait.ge [sflag:s17], $0x2000  }
0x1ba: {  	[sflag:s17] =	ssyncset.done $0x0  }
0x1bb: {  	s3 =	rddreg [dreg:$0x1b];
	[sflag:s17] =	ssyncadd.s32 $0xFFFFE000  }
0x1bc: {  	[spmem:s2] =	stream.indirect.scatter.add.f32 [tilespmem:s9], [sflag:$0x9], $0x40, s3, s7, $0xb8;
	[tilespmem:$0x1E0B8] =	vst v63  }
0x1bd: {  	_ =	swait.ge [sflag:s30], $0x2000  }
0x1be: {  	[sflag:s30] =	ssyncset.done $0x0  }
0x1bf: {  	s3 =	rddreg [dreg:$0x1c];
	[sflag:s30] =	ssyncadd.s32 $0xFFFFE000  }
0x1c0: {  	[tilespmem:s15], [sflag:$0x5] =	stream.indirect.gather [hbm4b:s6+s7], $0x40, s3, s7, $0xb8;
	[tilespmem:$0x1E0B8] =	vst v63  }
0x1c1: {  	_ =	swait.ge [sflag:s18], $0x2000  }
0x1c2: {  	[sflag:s18] =	ssyncset.done $0x0  }
0x1c3: {  	s3 =	rddreg [dreg:$0x1d];
	[sflag:s18] =	ssyncadd.s32 $0xFFFFE000  }
0x1c4: {  	[spmem:s2] =	stream.indirect.scatter.add.f32 [tilespmem:s10], [sflag:$0xA], $0x40, s3, s7, $0xb8;
	[tilespmem:$0x1E0B8] =	vst v63  }
0x1c5: {  	_ =	swait.ge [sflag:s31], $0x2000  }
0x1c6: {  	[sflag:s31] =	ssyncset.done $0x0  }
0x1c7: {  	s3 =	rddreg [dreg:$0x1e];
	[sflag:s31] =	ssyncadd.s32 $0xFFFFE000  }
0x1c8: {  	[tilespmem:s8], [sflag:$0x6] =	stream.indirect.gather [hbm4b:s6+s7], $0x40, s3, s7, $0xb8;
	[tilespmem:$0x1E0B8] =	vst v63  }
0x1c9: {  	_ =	swait.ge [sflag:s19], $0x2000  }
0x1ca: {  	[sflag:s19] =	ssyncset.done $0x0  }
0x1cb: {  	s3 =	rddreg [dreg:$0x1f];
	[sflag:s19] =	ssyncadd.s32 $0xFFFFE000  }
0x1cc: {  	[spmem:s2] =	stream.indirect.scatter.add.f32 [tilespmem:s11], [sflag:$0xB], $0x40, s3, s7, $0xb8;
	[tilespmem:$0x1E0B8] =	vst v63  }
0x1cd: {  	_ =	swait.ge [sflag:s0], $0x2000  }
0x1ce: {  	s3 =	sld [smem:$0x7DD]  }
0x1cf: {  	[sflag:s0] =	ssyncset.done $0x0  }
0x1d0: {  	[sflag:s0] =	ssyncadd.s32 $0xFFFFE000  }
0x1d1: {  	[tilespmem:s23], [sflag:$0x7] =	stream.indirect.gather [hbm4b:s6+s7], $0x40, s3, s7, $0xb8;
	[tilespmem:$0x1E0B8] =	vst v63  }
0x1d2: {  	_ =	swait.ge [sflag:s20], $0x2000  }
0x1d3: {  	s3 =	sld [smem:$0x7DE]  }
0x1d4: {  	[sflag:s20] =	ssyncset.done $0x0  }
0x1d5: {  	[sflag:s20] =	ssyncadd.s32 $0xFFFFE000  }
0x1d6: {  	[spmem:s2] =	stream.indirect.scatter.add.f32 [tilespmem:s4], [sflag:$0xC], $0x40, s3, s7, $0xb8;
	[tilespmem:$0x1E0B8] =	vst v63  }
0x1d7: {  	_ =	swait.ge [sflag:s1], $0x2000  }
0x1d8: {  	s3 =	sld [smem:$0x7DF]  }
0x1d9: {  	[sflag:s1] =	ssyncset.done $0x0  }
0x1da: {  	[sflag:s1] =	ssyncadd.s32 $0xFFFFE000  }
0x1db: {  	[tilespmem:s13], [sflag:$0x8] =	stream.indirect.gather [hbm4b:s6+s7], $0x40, s3, s7, $0xb8;
	[tilespmem:$0x1E0B8] =	vst v63  }
0x1dc: {  	_ =	swait.ge [sflag:s12], $0x2000  }
0x1dd: {  	s3 =	sld [smem:$0x7E0]  }
0x1de: {  	[sflag:s12] =	ssyncset.done $0x0  }
0x1df: {  	[sflag:s12] =	ssyncadd.s32 $0xFFFFE000  }
0x1e0: {  	[spmem:s2] =	stream.indirect.scatter.add.f32 [tilespmem:s15], [sflag:$0xD], $0x40, s3, s7, $0xb8;
	[tilespmem:$0x1E0B8] =	vst v63  }
0x1e1: {  	_ =	swait.ge [sflag:s22], $0x2000  }
0x1e2: {  	s3 =	sld [smem:$0x7E1]  }
0x1e3: {  	[sflag:s22] =	ssyncset.done $0x0  }
0x1e4: {  	[sflag:s22] =	ssyncadd.s32 $0xFFFFE000  }
0x1e5: {  	[tilespmem:s9], [sflag:$0x1] =	stream.indirect.gather [hbm4b:s6+s7], $0x40, s3, s7, $0xb8;
	[tilespmem:$0x1E0B8] =	vst v63  }
0x1e6: {  	_ =	swait.ge [sflag:s14], $0x2000  }
0x1e7: {  	s3 =	sld [smem:$0x7E2]  }
0x1e8: {  	[sflag:s14] =	ssyncset.done $0x0  }
0x1e9: {  	[sflag:s14] =	ssyncadd.s32 $0xFFFFE000  }
0x1ea: {  	[spmem:s2] =	stream.indirect.scatter.add.f32 [tilespmem:s8], [sflag:$0xE], $0x40, s3, s7, $0xb8;
	[tilespmem:$0x1E0B8] =	vst v63  }
0x1eb: {  	_ =	swait.ge [sflag:s24], $0x2000  }
0x1ec: {  	s3 =	sld [smem:$0x7E3]  }
0x1ed: {  	[sflag:s24] =	ssyncset.done $0x0  }
0x1ee: {  	[sflag:s24] =	ssyncadd.s32 $0xFFFFE000  }
0x1ef: {  	[tilespmem:s10], [sflag:$0x2] =	stream.indirect.gather [hbm4b:s6+s7], $0x40, s3, s7, $0xb8;
	[tilespmem:$0x1E0B8] =	vst v63  }
0x1f0: {  	_ =	swait.ge [sflag:s16], $0x2000  }
0x1f1: {  	s3 =	sld [smem:$0x7E4]  }
0x1f2: {  	[sflag:s16] =	ssyncset.done $0x0  }
0x1f3: {  	[sflag:s16] =	ssyncadd.s32 $0xFFFFE000  }
0x1f4: {  	[spmem:s2] =	stream.indirect.scatter.add.f32 [tilespmem:s23], [sflag:$0xF], $0x40, s3, s7, $0xb8;
	[tilespmem:$0x1E0B8] =	vst v63  }
0x1f5: {  	_ =	swait.ge [sflag:s26], $0x2000  }
0x1f6: {  	s3 =	sld [smem:$0x7E5]  }
0x1f7: {  	[sflag:s26] =	ssyncset.done $0x0  }
0x1f8: {  	[sflag:s26] =	ssyncadd.s32 $0xFFFFE000  }
0x1f9: {  	[tilespmem:s11], [sflag:$0x3] =	stream.indirect.gather [hbm4b:s6+s7], $0x40, s3, s7, $0xb8;
	[tilespmem:$0x1E0B8] =	vst v63  }
0x1fa: {  	_ =	swait.ge [sflag:s28], $0x2000  }
0x1fb: {  	s3 =	sld [smem:$0x7E6]  }
0x1fc: {  	[sflag:s28] =	ssyncset.done $0x0  }
0x1fd: {  	[sflag:s28] =	ssyncadd.s32 $0xFFFFE000  }
0x1fe: {  	[spmem:s2] =	stream.indirect.scatter.add.f32 [tilespmem:s13], [sflag:$0x10], $0x40, s3, s7, $0xb8;
	[tilespmem:$0x1E0B8] =	vst v63  }
0x1ff: {  	_ =	swait.ge [sflag:s29], $0x2000  }
0x200: {  	s3 =	sld [smem:$0x7E7]  }
0x201: {  	[sflag:s29] =	ssyncset.done $0x0  }
0x202: {  	[sflag:s29] =	ssyncadd.s32 $0xFFFFE000  }
0x203: {  	[tilespmem:s4], [sflag:$0x4] =	stream.indirect.gather [hbm4b:s6+s7], $0x40, s3, s7, $0xb8;
	[tilespmem:$0x1E0B8] =	vst v63  }
0x204: {  	_ =	swait.ge [sflag:s17], $0x2000  }
0x205: {  	s3 =	sld [smem:$0x7E8]  }
0x206: {  	[sflag:s17] =	ssyncset.done $0x0  }
0x207: {  	[sflag:s17] =	ssyncadd.s32 $0xFFFFE000  }
0x208: {  	[spmem:s2] =	stream.indirect.scatter.add.f32 [tilespmem:s9], [sflag:$0x9], $0x40, s3, s7, $0xb8;
	[tilespmem:$0x1E0B8] =	vst v63  }
0x209: {  	_ =	swait.ge [sflag:s30], $0x2000  }
0x20a: {  	s3 =	sld [smem:$0x7E9]  }
0x20b: {  	[sflag:s30] =	ssyncset.done $0x0  }
0x20c: {  	[sflag:s30] =	ssyncadd.s32 $0xFFFFE000  }
0x20d: {  	[tilespmem:s15], [sflag:$0x5] =	stream.indirect.gather [hbm4b:s6+s7], $0x40, s3, s7, $0xb8;
	[tilespmem:$0x1E0B8] =	vst v63  }
0x20e: {  	_ =	swait.ge [sflag:s18], $0x2000  }
0x20f: {  	s3 =	sld [smem:$0x7EA]  }
0x210: {  	[sflag:s18] =	ssyncset.done $0x0  }
0x211: {  	[sflag:s18] =	ssyncadd.s32 $0xFFFFE000  }
0x212: {  	[spmem:s2] =	stream.indirect.scatter.add.f32 [tilespmem:s10], [sflag:$0xA], $0x40, s3, s7, $0xb8;
	[tilespmem:$0x1E0B8] =	vst v63  }
0x213: {  	_ =	swait.ge [sflag:s31], $0x2000  }
0x214: {  	s3 =	sld [smem:$0x7EB]  }
0x215: {  	[sflag:s31] =	ssyncset.done $0x0  }
0x216: {  	[sflag:s31] =	ssyncadd.s32 $0xFFFFE000  }
0x217: {  	[tilespmem:s8], [sflag:$0x6] =	stream.indirect.gather [hbm4b:s6+s7], $0x40, s3, s7, $0xb8;
	[tilespmem:$0x1E0B8] =	vst v63  }
0x218: {  	_ =	swait.ge [sflag:s19], $0x2000  }
0x219: {  	s3 =	sld [smem:$0x7EC]  }
0x21a: {  	[sflag:s19] =	ssyncset.done $0x0  }
0x21b: {  	[sflag:s19] =	ssyncadd.s32 $0xFFFFE000  }
0x21c: {  	[spmem:s2] =	stream.indirect.scatter.add.f32 [tilespmem:s11], [sflag:$0xB], $0x40, s3, s7, $0xb8;
	[tilespmem:$0x1E0B8] =	vst v63  }
0x21d: {  	_ =	swait.ge [sflag:s0], $0x2000  }
0x21e: {  	s3 =	sld [smem:$0x7ED]  }
0x21f: {  	[sflag:s0] =	ssyncset.done $0x0  }
0x220: {  	[sflag:s0] =	ssyncadd.s32 $0xFFFFE000  }
0x221: {  	[tilespmem:s23], [sflag:$0x7] =	stream.indirect.gather [hbm4b:s6+s7], $0x40, s3, s7, $0xb8;
	[tilespmem:$0x1E0B8] =	vst v63  }
0x222: {  	_ =	swait.ge [sflag:s20], $0x2000  }
0x223: {  	s3 =	sld [smem:$0x7EE]  }
0x224: {  	[sflag:s20] =	ssyncset.done $0x0  }
0x225: {  	[sflag:s20] =	ssyncadd.s32 $0xFFFFE000  }
0x226: {  	[spmem:s2] =	stream.indirect.scatter.add.f32 [tilespmem:s4], [sflag:$0xC], $0x40, s3, s7, $0xb8;
	[tilespmem:$0x1E0B8] =	vst v63  }
0x227: {  	_ =	swait.ge [sflag:s1], $0x2000  }
0x228: {  	s3 =	sld [smem:$0x7EF]  }
0x229: {  	[sflag:s1] =	ssyncset.done $0x0  }
0x22a: {  	[sflag:s1] =	ssyncadd.s32 $0xFFFFE000  }
0x22b: {  	[tilespmem:s13], [sflag:$0x8] =	stream.indirect.gather [hbm4b:s6+s7], $0x40, s3, s7, $0xb8;
	[tilespmem:$0x1E0B8] =	vst v63  }
0x22c: {  	_ =	swait.ge [sflag:s12], $0x2000  }
0x22d: {  	s3 =	sld [smem:$0x7F0]  }
0x22e: {  	[sflag:s12] =	ssyncset.done $0x0  }
0x22f: {  	[sflag:s12] =	ssyncadd.s32 $0xFFFFE000  }
0x230: {  	[spmem:s2] =	stream.indirect.scatter.add.f32 [tilespmem:s15], [sflag:$0xD], $0x40, s3, s7, $0xb8;
	[tilespmem:$0x1E0B8] =	vst v63  }
0x231: {  	_ =	swait.ge [sflag:s22], $0x2000  }
0x232: {  	s12 =	sld [smem:$0x7F1]  }
0x233: {  	[sflag:s22] =	ssyncset.done $0x0  }
0x234: {  	[sflag:s22] =	ssyncadd.s32 $0xFFFFE000  }
0x235: {  	[tilespmem:s9], [sflag:$0x1] =	stream.indirect.gather [hbm4b:s6+s7], $0x40, s12, s7, $0xb8;
	[tilespmem:$0x1E0B8] =	vst v63  }
0x236: {  	_ =	swait.ge [sflag:s14], $0x2000  }
0x237: {  	s12 =	sld [smem:$0x7F2]  }
0x238: {  	[sflag:s14] =	ssyncset.done $0x0  }
0x239: {  	[sflag:s14] =	ssyncadd.s32 $0xFFFFE000  }
0x23a: {  	[spmem:s2] =	stream.indirect.scatter.add.f32 [tilespmem:s8], [sflag:$0xE], $0x40, s12, s7, $0xb8;
	[tilespmem:$0x1E0B8] =	vst v63  }
0x23b: {  	_ =	swait.ge [sflag:s24], $0x2000  }
0x23c: {  	s12 =	sld [smem:$0x7F3]  }
0x23d: {  	[sflag:s24] =	ssyncset.done $0x0  }
0x23e: {  	[sflag:s24] =	ssyncadd.s32 $0xFFFFE000  }
0x23f: {  	[tilespmem:s10], [sflag:$0x2] =	stream.indirect.gather [hbm4b:s6+s7], $0x40, s12, s7, $0xb8;
	[tilespmem:$0x1E0B8] =	vst v63  }
0x240: {  	_ =	swait.ge [sflag:s16], $0x2000  }
0x241: {  	s14 =	sld [smem:$0x7F4]  }
0x242: {  	[sflag:s16] =	ssyncset.done $0x0  }
0x243: {  	[sflag:s16] =	ssyncadd.s32 $0xFFFFE000  }
0x244: {  	[spmem:s2] =	stream.indirect.scatter.add.f32 [tilespmem:s23], [sflag:$0xF], $0x40, s14, s7, $0xb8;
	[tilespmem:$0x1E0B8] =	vst v63  }
0x245: {  	_ =	swait.ge [sflag:s26], $0x2000  }
0x246: {  	s12 =	sld [smem:$0x7F5]  }
0x247: {  	[sflag:s26] =	ssyncset.done $0x0  }
0x248: {  	[sflag:s26] =	ssyncadd.s32 $0xFFFFE000  }
0x249: {  	[tilespmem:s11], [sflag:$0x3] =	stream.indirect.gather [hbm4b:s6+s7], $0x40, s12, s7, $0xb8;
	[tilespmem:$0x1E0B8] =	vst v63  }
0x24a: {  	_ =	swait.ge [sflag:s28], $0x2000  }
0x24b: {  	s14 =	sld [smem:$0x7F6]  }
0x24c: {  	[sflag:s28] =	ssyncset.done $0x0  }
0x24d: {  	[sflag:s28] =	ssyncadd.s32 $0xFFFFE000  }
0x24e: {  	[spmem:s2] =	stream.indirect.scatter.add.f32 [tilespmem:s13], [sflag:$0x10], $0x40, s14, s7, $0xb8;
	[tilespmem:$0x1E0B8] =	vst v63  }
0x24f: {  	_ =	swait.ge [sflag:s29], $0x2000  }
0x250: {  	s16 =	sld [smem:$0x7F7]  }
0x251: {  	[sflag:s29] =	ssyncset.done $0x0  }
0x252: {  	[sflag:s29] =	ssyncadd.s32 $0xFFFFE000  }
0x253: {  	[tilespmem:s4], [sflag:$0x4] =	stream.indirect.gather [hbm4b:s6+s7], $0x40, s16, s7, $0xb8;
	[tilespmem:$0x1E0B8] =	vst v63  }
0x254: {  	_ =	swait.ge [sflag:s17], $0x2000  }
0x255: {  	s12 =	sld [smem:$0x7F8]  }
0x256: {  	[sflag:s17] =	ssyncset.done $0x0  }
0x257: {  	[sflag:s17] =	ssyncadd.s32 $0xFFFFE000  }
0x258: {  	[spmem:s2] =	stream.indirect.scatter.add.f32 [tilespmem:s9], [sflag:$0x9], $0x40, s12, s7, $0xb8;
	[tilespmem:$0x1E0B8] =	vst v63  }
0x259: {  	_ =	swait.ge [sflag:s30], $0x2000  }
0x25a: {  	[sflag:s30] =	ssyncset.done $0x0  }
0x25b: {  	[sflag:s30] =	ssyncadd.s32 $0xFFFFE000  }
0x25c: {  	_ =	swait.ge [sflag:s18], $0x2000  }
0x25d: {  	s13 =	sld [smem:$0x7F9]  }
0x25e: {  	[sflag:s18] =	ssyncset.done $0x0  }
0x25f: {  	[sflag:s18] =	ssyncadd.s32 $0xFFFFE000  }
0x260: {  	[spmem:s2] =	stream.indirect.scatter.add.f32 [tilespmem:s10], [sflag:$0xA], $0x40, s13, s7, $0xb8;
	[tilespmem:$0x1E0B8] =	vst v63  }
0x261: {  	_ =	swait.ge [sflag:s31], $0x2000  }
0x262: {  	[sflag:s31] =	ssyncset.done $0x0  }
0x263: {  	[sflag:s31] =	ssyncadd.s32 $0xFFFFE000  }
0x264: {  	_ =	swait.ge [sflag:s19], $0x2000  }
0x265: {  	s14 =	sld [smem:$0x7FA]  }
0x266: {  	[sflag:s19] =	ssyncset.done $0x0  }
0x267: {  	[sflag:s19] =	ssyncadd.s32 $0xFFFFE000  }
0x268: {  	[spmem:s2] =	stream.indirect.scatter.add.f32 [tilespmem:s11], [sflag:$0xB], $0x40, s14, s7, $0xb8;
	[tilespmem:$0x1E0B8] =	vst v63  }
0x269: {  	_ =	swait.ge [sflag:s0], $0x2000  }
0x26a: {  	[sflag:s0] =	ssyncset.done $0x0  }
0x26b: {  	[sflag:s0] =	ssyncadd.s32 $0xFFFFE000  }
0x26c: {  	_ =	swait.ge [sflag:s20], $0x2000  }
0x26d: {  	s16 =	sld [smem:$0x7FB]  }
0x26e: {  	[sflag:s20] =	ssyncset.done $0x0  }
0x26f: {  	[sflag:s20] =	ssyncadd.s32 $0xFFFFE000  }
0x270: {  	[spmem:s2] =	stream.indirect.scatter.add.f32 [tilespmem:s4], [sflag:$0xC], $0x40, s16, s7, $0xb8;
	[tilespmem:$0x1E0B8] =	vst v63  }
0x271: {  	_ =	swait.ge [sflag:s1], $0x2000  }
0x272: {  	[sflag:s1] =	ssyncset.done $0x0  }
0x273: {  	[sflag:s1] =	ssyncadd.s32 $0xFFFFE000  }
0x274: {  	_ =	swait.ge [sflag:s22], $0x2000  }
0x275: {  	[sflag:s22] =	ssyncset.done $0x0  }
0x276: {  	[sflag:s22] =	ssyncadd.s32 $0xFFFFE000  }
0x277: {  	_ =	swait.ge [sflag:s24], $0x2000  }
0x278: {  	[sflag:s24] =	ssyncset.done $0x0  }
0x279: {  	[sflag:s24] =	ssyncadd.s32 $0xFFFFE000  }
0x27a: {  	_ =	swait.ge [sflag:s26], $0x2000  }
0x27b: {  	[sflag:s26] =	ssyncset.done $0x0  }
0x27c: {  	[sflag:s26] =	ssyncadd.s32 $0xFFFFE000  }
0x27d: {  	_ =	swait.ge [sflag:s29], $0x2000  }
0x27e: {  	[sflag:s29] =	ssyncset.done $0x0  }
0x27f: {  	[sflag:s29] =	ssyncadd.s32 $0xFFFFE000  }
0x280: {  	[bflag:$0x0] =	sbarrier.arrive $0xFFFF  }
0x281: {  	s5 =	sadd.s32 $0xFFFFFFFF, s5;
	s12 =	sld [smem:$0x7FC]  }
0x282: {  	p1 =	sne.s32 s5, $0x0  }
.Ltmp1:
0x283: {  	s4 =	simm.s32 @p0 $0x11;
	s3 =	rddreg [dreg:$0x8];
	(pc) =	sbr.rel @p1 .LBB2_2-.Ltmp1, $4  }
0x284: {  	[hbm:s3], [sflag:s25] =	dma.local @p0 [spmem:s12], $0x1898  }
0x285: {  	_ =	swait.ge @p0 [sflag:s4], $0x1898  }
0x286: {  	[sflag:s4] =	ssyncset.done @p0 $0x0;
	s3 =	rddreg [dreg:$0x7]  }
0x287: {  	s12 =	sld [smem:$0x7FD];
	[sflag:s4] =	ssyncadd.s32 @p0 $0xFFFFE768;
	s4 =	simm.s32 @!p0 $0x11  }
.LBB2_3:
0x288: {  	_ =	sdelay $0x1  }
0x289: {  	[hbm:s3], [sflag:s25] =	dma.local @!p0 [spmem:s12], $0x5F0  }
0x28a: {  	_ =	swait.ge @!p0 [sflag:s4], $0x5F0  }
0x28b: {  	[sflag:s4] =	ssyncset.done @!p0 $0x0  }
0x28c: {  	[sflag:s4] =	ssyncadd.s32 @!p0 $0xFFFFFA10  }
0x28d: {  	_ =	sfence.sel $0x180000  }
0x28e: {  	[bflag:$0x0] =	sbarrier.arrive $0xFFFF  }
0x28f: {  	_ =	strace $0x90000047  }
0x290: {  	s0 =	stileid.u32;
	[bflag:$0x2] =	sbarrier.arrive $0xFFFF  }
0x291: {  	p0 =	sne.s32 s0, $0x0;
	s0 =	rddreg [dreg:$0x3]  }
0x292: {  	s0 =	sadd.s32 @!p0 $0x100000, s0  }
0x293: {  	[sflag:s0] =	ssyncadd.tile.s32 @!p0 $0x1;
	_ =	shalt  }
.Lfunc_end2:
_tile_overlayer_lowered:
.L_overlay_start_2:
0x294: {  	(tag) =	ssettag $0x2  }
0x295: {  	s0 =	rddreg [dreg:$0x0];
	s2 =	stileid.u32  }
0x296: {  	s1 =	rddreg [dreg:$0x1];
	p0 =	sne.s32 s2, $0x0  }
0x297: {  	s3 =	rddreg [dreg:$0x2];
	[bflag:$0x3] =	sbarrier.arrive $0xFFFF;
	s2 =	simm.s32 @!p0 $0x1C11  }
0x298: {  	[timem:s3], [sflag:s2] =	dma.local @!p0 [hbm:s0], s1  }
0x299: {  	s0 =	simm.s32 @!p0 $0x11  }
0x29a: {  	_ =	swait.ge @!p0 [sflag:s0], s1  }
0x29b: {  	s1 =	ssub.s32 @!p0 $0x0, s1;
	[sflag:s0] =	ssyncset.done @!p0 $0x0  }
0x29c: {  	[sflag:s0] =	ssyncadd.s32 @!p0 s1  }
0x29d: {  	[bflag:$0x3] =	sbarrier.arrive $0xFFFF  }
0x29e: {  	_ =	shalt  }

</sc_bundles>
